<compile_context>
chip_gen: v7x
topology: tpu7x:2x2x1
jax: 0.10.2.dev20260603
libtpu: 0.0.44.dev20260713+nightly
codegen_flags: <defaults>
</compile_context>

<pallas_src>
import functools

import jax
import jax.numpy as jnp
from jax import lax
from jax.experimental import pallas as pl
from jax.experimental.pallas import tpu as pltpu
from jax.experimental.pallas import tpu_sc as plsc


_TB = 384
_CHK = 1024


def _router_body(x_ref, wr_ref, br_ref,
                 probs_ref, idx_ref, pos_ref, be_ref,
                 rank_s, oh_s, cnt_s, *, TB, NBLK):
    c = pl.program_id(0)
    nch = pl.num_programs(0) - 1
    E = wr_ref.shape[0]
    CHK = x_ref.shape[0]

    @pl.when(c == 0)
    def _():
        cnt_s[...] = jnp.zeros_like(cnt_s)

    @pl.when(c < nch)
    def _():
        xb = x_ref[...]
        logits = lax.dot_general(
            xb, wr_ref[...], (((1,), (1,)), ((), ())),
            preferred_element_type=jnp.float32,
            precision=lax.Precision.DEFAULT) + br_ref[...]
        m = jnp.max(logits, axis=1, keepdims=True)
        ex = jnp.exp(logits - m)
        probs_ref[...] = ex / jnp.sum(ex, axis=1, keepdims=True)
        iota_e = lax.broadcasted_iota(jnp.int32, logits.shape, 1)
        eid = jnp.min(jnp.where(logits == m, iota_e, E), axis=1,
                      keepdims=True)
        idx_ref[...] = eid
        oh = (iota_e == eid).astype(jnp.float32)
        io_i = lax.broadcasted_iota(jnp.int32, (CHK, CHK), 0)
        io_j = lax.broadcasted_iota(jnp.int32, (CHK, CHK), 1)
        tri = (io_i > io_j).astype(jnp.float32)
        rank = lax.dot_general(
            tri, oh, (((1,), (0,)), ((), ())),
            preferred_element_type=jnp.float32,
            precision=lax.Precision.DEFAULT) + cnt_s[...]
        rank_s[c] = rank
        oh_s[c] = oh
        cnt_s[...] += jnp.sum(oh, axis=0, keepdims=True)

    @pl.when(c == nch)
    def _():
        counts = cnt_s[...]
        nblk = jnp.floor((counts + (TB - 1)) * (1.0 / TB))
        io_a = lax.broadcasted_iota(jnp.int32, (E, E), 0)
        io_b = lax.broadcasted_iota(jnp.int32, (E, E), 1)
        upper = (io_a < io_b).astype(jnp.float32)
        eye = (io_a == io_b).astype(jnp.float32)
        blk_off = lax.dot_general(
            nblk, upper, (((1,), (0,)), ((), ())),
            preferred_element_type=jnp.float32,
            precision=lax.Precision.HIGHEST)
        pad_off = blk_off * float(TB)
        pos3 = jnp.sum(oh_s[...] * (rank_s[...] + pad_off.reshape(1, 1, E)),
                       axis=2, keepdims=True)
        pos_ref[...] = pos3.reshape(nch * CHK, 1).astype(jnp.int32)
        blk_off_col = lax.dot_general(
            eye, blk_off, (((1,), (1,)), ((), ())),
            preferred_element_type=jnp.float32,
            precision=lax.Precision.HIGHEST)
        jge = lax.broadcasted_iota(
            jnp.int32, (E, NBLK), 1).astype(jnp.float32)
        ge = (jge >= blk_off_col).astype(jnp.float32)
        be = jnp.sum(ge, axis=0, keepdims=True) - 1.0
        total = jnp.sum(nblk, axis=1, keepdims=True)
        be_ref[...] = jnp.concatenate([be, total],
                                      axis=1).astype(jnp.int32)


def _ffn_body(be_ref, xs_ref, w1_ref, b1_ref, w2_ref, b2_ref, ys_ref, *,
              NBLK):
    j = pl.program_id(0)

    @pl.when(j < be_ref[NBLK])
    def _():
        h = jnp.dot(xs_ref[...], w1_ref[0],
                    preferred_element_type=jnp.float32,
                    precision=lax.Precision.DEFAULT) + b1_ref[0]
        h = jnp.maximum(h, 0.0)
        ys_ref[...] = jnp.dot(h, w2_ref[0],
                              preferred_element_type=jnp.float32,
                              precision=lax.Precision.DEFAULT) + b2_ref[0]


def kernel(x, Wr, br, W1, b1, W2, b2):
    B, S, D = x.shape
    E, _, H = W1.shape
    N = B * S
    TB = _TB
    CHK = _CHK
    nch = N // CHK
    NBLK = N // TB + E
    NPAD = NBLK * TB
    xf = x.reshape(N, D)

    probs, idx, pos, be = pl.pallas_call(
        functools.partial(_router_body, TB=TB, NBLK=NBLK),
        grid=(nch + 1,),
        in_specs=[
            pl.BlockSpec((CHK, D), lambda c: (jnp.minimum(c, nch - 1), 0)),
            pl.BlockSpec((E, D), lambda c: (0, 0)),
            pl.BlockSpec((1, E), lambda c: (0, 0)),
        ],
        out_specs=[
            pl.BlockSpec((CHK, E), lambda c: (jnp.minimum(c, nch - 1), 0)),
            pl.BlockSpec((CHK, 1), lambda c: (jnp.minimum(c, nch - 1), 0)),
            pl.BlockSpec((N, 1), lambda c: (0, 0)),
            pl.BlockSpec((1, NBLK + 1), lambda c: (0, 0)),
        ],
        out_shape=[
            jax.ShapeDtypeStruct((N, E), jnp.float32),
            jax.ShapeDtypeStruct((N, 1), jnp.int32),
            jax.ShapeDtypeStruct((N, 1), jnp.int32),
            jax.ShapeDtypeStruct((1, NBLK + 1), jnp.int32),
        ],
        scratch_shapes=[
            pltpu.VMEM((nch, CHK, E), jnp.float32),
            pltpu.VMEM((nch, CHK, E), jnp.float32),
            pltpu.VMEM((1, E), jnp.float32),
        ],
    )(xf, Wr, br.reshape(1, E))

    pos_flat = pos.reshape(N)
    be_flat = be.reshape(NBLK + 1)

    info = plsc.get_sparse_core_info()
    NW = info.num_cores * info.num_subcores
    CH = N // NW
    mesh = plsc.VectorSubcoreMesh(core_axis_name="c", subcore_axis_name="s")

    @functools.partial(
        pl.kernel, mesh=mesh,
        out_type=jax.ShapeDtypeStruct((NPAD, D), jnp.float32),
        scratch_types=[
            pltpu.VMEM((CH,), jnp.int32),
            pltpu.VMEM((CH, D), jnp.float32),
            pltpu.SemaphoreType.DMA,
        ],
    )
    def _dispatch(x_hbm, pos_hbm, xs_hbm, idx_v, rows_v, sem):
        wid = lax.axis_index("s") * info.num_cores + lax.axis_index("c")
        base = wid * CH
        pltpu.sync_copy(pos_hbm.at[pl.ds(base, CH)], idx_v)
        pltpu.sync_copy(x_hbm.at[pl.ds(base, CH)], rows_v)
        pltpu.async_copy(rows_v, xs_hbm.at[idx_v], sem).wait()

    xs = _dispatch(xf, pos_flat)

    ys = pl.pallas_call(
        functools.partial(_ffn_body, NBLK=NBLK),
        grid_spec=pltpu.PrefetchScalarGridSpec(
            num_scalar_prefetch=1,
            grid=(NBLK,),
            in_specs=[
                pl.BlockSpec((TB, D),
                             lambda j, be: (jnp.minimum(j, be[NBLK] - 1), 0)),
                pl.BlockSpec((1, D, H), lambda j, be: (be[j], 0, 0)),
                pl.BlockSpec((1, 1, H), lambda j, be: (be[j], 0, 0)),
                pl.BlockSpec((1, H, D), lambda j, be: (be[j], 0, 0)),
                pl.BlockSpec((1, 1, D), lambda j, be: (be[j], 0, 0)),
            ],
            out_specs=pl.BlockSpec(
                (TB, D), lambda j, be: (jnp.minimum(j, be[NBLK] - 1), 0)),
        ),
        out_shape=jax.ShapeDtypeStruct((NPAD, D), jnp.float32),
    )(be_flat, xs, W1, b1.reshape(E, 1, H), W2, b2.reshape(E, 1, D))

    @functools.partial(
        pl.kernel, mesh=mesh,
        out_type=jax.ShapeDtypeStruct((N, D), jnp.float32),
        scratch_types=[
            pltpu.VMEM((CH,), jnp.int32),
            pltpu.VMEM((CH, D), jnp.float32),
            pltpu.SemaphoreType.DMA,
        ],
    )
    def _combine(ys_hbm, pos_hbm, out_hbm, idx_v, rows_v, sem):
        wid = lax.axis_index("s") * info.num_cores + lax.axis_index("c")
        base = wid * CH
        pltpu.sync_copy(pos_hbm.at[pl.ds(base, CH)], idx_v)
        pltpu.async_copy(ys_hbm.at[idx_v], rows_v, sem).wait()
        pltpu.sync_copy(rows_v, out_hbm.at[pl.ds(base, CH)])

    out = _combine(ys, pos_flat)

    final = out.reshape(B, S, D)
    gating = probs.reshape(B, S, E)
    topk = idx.reshape(B, S, 1)
    return (final, gating, topk)

# --- scband reference (transcript-rebuilt; emitter-appended) ---
"""Pipeline reference for scband-baseline-mo-elayer-71425306132871 (READ-ONLY COPY).

The authoritative reference and input builder live on the scoring server;
editing this copy changes nothing except your own understanding.
"""

import jax, jax.numpy as jnp
import numpy as np

B, S, D = 1, 2048, 768
E, K, H = 8, 1, 768


def setup_inputs(seed: int = 0) -> dict:
    key = jax.random.key(seed)
    ks = jax.random.split(key, 6)
    x = jax.random.normal(ks[0], (B, S, D), dtype=jnp.float32)
    Wr = jax.random.normal(ks[1], (E, D), dtype=jnp.float32) * 0.02
    br = jnp.zeros((E,), dtype=jnp.float32)
    W1 = jax.random.normal(ks[2], (E, D, H), dtype=jnp.float32) * 0.02
    b1 = jnp.zeros((E, H), dtype=jnp.float32)
    W2 = jax.random.normal(ks[3], (E, H, D), dtype=jnp.float32) * 0.02
    b2 = jnp.zeros((E, D), dtype=jnp.float32)
    return {"x": x, "Wr": Wr, "br": br, "W1": W1, "b1": b1, "W2": W2, "b2": b2}


def reference(x, Wr, br, W1, b1, W2, b2):
    Bb, Ss, Dd = x.shape
    N = Bb * Ss
    xf = x.reshape(N, Dd)
    # VanillaRouter: linear to expert logits
    router_logits = xf @ Wr.T + br
    gating_probs = jax.nn.softmax(router_logits, axis=-1)
    # top-k over raw logits, then softmax over selected logits
    top_k_weights, top_k_indices = jax.lax.top_k(router_logits, K)
    top_k_router_probs = jax.nn.softmax(top_k_weights, axis=-1)
    # combine weights: zero for unselected experts, routing prob for selected
    combine = jnp.zeros((N, E), dtype=x.dtype).at[jnp.arange(N)[:, None], top_k_indices].add(top_k_router_probs)
    # expert FFN: Linear -> ReLU -> (Dropout p=0.0) -> Linear, computed densely then combined
    h = jnp.einsum('nd,edh->neh', xf, W1) + b1[None, :, :]
    h = jax.nn.relu(h)
    out_e = jnp.einsum('neh,ehd->ned', h, W2) + b2[None, :, :]
    final_output_flat = jnp.einsum('ned,ne->nd', out_e, combine)
    final_output = final_output_flat.reshape(Bb, Ss, Dd)
    return (final_output, gating_probs.reshape(Bb, Ss, E), top_k_indices.reshape(Bb, Ss, K))

if __name__ == "__main__":
    import jax
    _d = setup_inputs()
    print(jax.jit(kernel)(*tuple(_d.values())))

</pallas_src>

<mosaic_0001>
#map = affine_map<(d0, d1) -> (0, 0)>
#map1 = affine_map<(d0, d1) -> (0)>
module attributes {stable_mosaic.version = 14 : i64} {
  func.func @_dispatch(%arg0: i32, %arg1: i32, %arg2: memref<2048x768xf32, #tpu.memory_space<hbm>>, %arg3: memref<2048xi32, #tpu.memory_space<hbm>>, %arg4: memref<4992x768xf32, #tpu.memory_space<hbm>>, %arg5: memref<64xi32, #tpu.memory_space<vmem>>, %arg6: memref<64x768xf32, #tpu.memory_space<vmem>>, %arg7: memref<!tpu.dma_semaphore, #tpu.memory_space<semaphore_mem>>) attributes {dimension_semantics = [#tpu.dimension_semantics<core_parallel>, #tpu.dimension_semantics<subcore_parallel>], iteration_bounds = array<i64: 2, 16>, scalar_prefetch = 0 : i64, scratch_operands = 3 : i64, tpu.core_type = #tpu.core_type<sc_vector_subcore>, window_params = [{transform_indices = #map}, {transform_indices = #map1}, {transform_indices = #map}]} {
    %mul3A = arith.constant 2 : i32
    %mul3A_0 = arith.muli %arg1, %mul3A : i32
    %add3A = arith.addi %mul3A_0, %arg0 : i32
    %mul3A_1 = arith.constant 64 : i32
    %mul3A_2 = arith.muli %add3A, %mul3A_1 : i32
    "tpu.region"() ({
      %run_scoped3A = tpu.sem_alloc : memref<!tpu.dma_semaphore, #tpu.memory_space<semaphore_mem>>
      %dma_start3A_7 = tpu.memref_slice %arg3[%mul3A_2] : memref<2048xi32, #tpu.memory_space<hbm>> -> memref<64xi32, #tpu.memory_space<hbm>>
      %dma_start3A_8 = tpu.memref_slice %arg3[%mul3A_2] : memref<2048xi32, #tpu.memory_space<hbm>> -> memref<64xi32, #tpu.memory_space<hbm>>
      tpu.enqueue_dma source(%dma_start3A_8 : memref<64xi32, #tpu.memory_space<hbm>>) target(%arg5 : memref<64xi32, #tpu.memory_space<vmem>>) target_semaphore(%run_scoped3A : memref<!tpu.dma_semaphore, #tpu.memory_space<semaphore_mem>>)
      %dma_wait3A_9 = tpu.memref_slice %arg3[%mul3A_2] : memref<2048xi32, #tpu.memory_space<hbm>> -> memref<64xi32, #tpu.memory_space<hbm>>
      %dma_wait3A_10 = tpu.memref_slice %arg3[%mul3A_2] : memref<2048xi32, #tpu.memory_space<hbm>> -> memref<64xi32, #tpu.memory_space<hbm>>
      tpu.wait_dma2 semaphore(%run_scoped3A : memref<!tpu.dma_semaphore, #tpu.memory_space<semaphore_mem>>) src(%dma_wait3A_10 : memref<64xi32, #tpu.memory_space<hbm>>) dst(%arg5 : memref<64xi32, #tpu.memory_space<vmem>>)
      tpu.yield
    }) : () -> ()
    "tpu.region"() ({
      %run_scoped3A = tpu.sem_alloc : memref<!tpu.dma_semaphore, #tpu.memory_space<semaphore_mem>>
      %dma_start3A_7 = arith.constant 0 : i32
      %dma_start3A_8 = tpu.memref_slice %arg2[%mul3A_2, %dma_start3A_7] : memref<2048x768xf32, #tpu.memory_space<hbm>> -> memref<64x768xf32, #tpu.memory_space<hbm>>
      %dma_start3A_9 = arith.constant 0 : i32
      %dma_start3A_10 = tpu.memref_slice %arg2[%mul3A_2, %dma_start3A_9] : memref<2048x768xf32, #tpu.memory_space<hbm>> -> memref<64x768xf32, #tpu.memory_space<hbm>>
      tpu.enqueue_dma source(%dma_start3A_10 : memref<64x768xf32, #tpu.memory_space<hbm>>) target(%arg6 : memref<64x768xf32, #tpu.memory_space<vmem>>) target_semaphore(%run_scoped3A : memref<!tpu.dma_semaphore, #tpu.memory_space<semaphore_mem>>)
      %dma_wait3A_11 = arith.constant 0 : i32
      %dma_wait3A_12 = tpu.memref_slice %arg2[%mul3A_2, %dma_wait3A_11] : memref<2048x768xf32, #tpu.memory_space<hbm>> -> memref<64x768xf32, #tpu.memory_space<hbm>>
      %dma_wait3A_13 = arith.constant 0 : i32
      %dma_wait3A_14 = tpu.memref_slice %arg2[%mul3A_2, %dma_wait3A_13] : memref<2048x768xf32, #tpu.memory_space<hbm>> -> memref<64x768xf32, #tpu.memory_space<hbm>>
      tpu.wait_dma2 semaphore(%run_scoped3A : memref<!tpu.dma_semaphore, #tpu.memory_space<semaphore_mem>>) src(%dma_wait3A_14 : memref<64x768xf32, #tpu.memory_space<hbm>>) dst(%arg6 : memref<64x768xf32, #tpu.memory_space<vmem>>)
      tpu.yield
    }) : () -> ()
    %dma_start3A = arith.constant 0 : i32
    %dma_start3A_3 = arith.constant 0 : i32
    %dma_start3A_4 = tpu.memref_slice %arg4[%dma_start3A, %dma_start3A_3] : memref<4992x768xf32, #tpu.memory_space<hbm>> -> memref<4992x768xf32, #tpu.memory_space<hbm>>
    tpu.enqueue_indirect_dma source(%arg6 : memref<64x768xf32, #tpu.memory_space<vmem>>) target(%dma_start3A_4 : memref<4992x768xf32, #tpu.memory_space<hbm>>) offsets(%arg5 : memref<64xi32, #tpu.memory_space<vmem>>) semaphore(%arg7 : memref<!tpu.dma_semaphore, #tpu.memory_space<semaphore_mem>>)
    %dma_wait3A = arith.constant 0 : i32
    %dma_wait3A_5 = arith.constant 0 : i32
    %dma_wait3A_6 = tpu.memref_slice %arg4[%dma_wait3A, %dma_wait3A_5] : memref<4992x768xf32, #tpu.memory_space<hbm>> -> memref<4992x768xf32, #tpu.memory_space<hbm>>
    tpu.wait_indirect_dma semaphore(%arg7 : memref<!tpu.dma_semaphore, #tpu.memory_space<semaphore_mem>>) src(%arg6 : memref<64x768xf32, #tpu.memory_space<vmem>>) dst(%dma_wait3A_6 : memref<4992x768xf32, #tpu.memory_space<hbm>>)
    return
  }
}

#map = affine_map<(d0, d1) -> (0, 0)>
#map1 = affine_map<(d0, d1) -> (0)>
module attributes {stable_mosaic.version = 14 : i64} {
  func.func @_combine(%arg0: i32, %arg1: i32, %arg2: memref<4992x768xf32, #tpu.memory_space<hbm>>, %arg3: memref<2048xi32, #tpu.memory_space<hbm>>, %arg4: memref<2048x768xf32, #tpu.memory_space<hbm>>, %arg5: memref<64xi32, #tpu.memory_space<vmem>>, %arg6: memref<64x768xf32, #tpu.memory_space<vmem>>, %arg7: memref<!tpu.dma_semaphore, #tpu.memory_space<semaphore_mem>>) attributes {dimension_semantics = [#tpu.dimension_semantics<core_parallel>, #tpu.dimension_semantics<subcore_parallel>], iteration_bounds = array<i64: 2, 16>, scalar_prefetch = 0 : i64, scratch_operands = 3 : i64, tpu.core_type = #tpu.core_type<sc_vector_subcore>, window_params = [{transform_indices = #map}, {transform_indices = #map1}, {transform_indices = #map}]} {
    %mul3A = arith.constant 2 : i32
    %mul3A_0 = arith.muli %arg1, %mul3A : i32
    %add3A = arith.addi %mul3A_0, %arg0 : i32
    %mul3A_1 = arith.constant 64 : i32
    %mul3A_2 = arith.muli %add3A, %mul3A_1 : i32
    "tpu.region"() ({
      %run_scoped3A = tpu.sem_alloc : memref<!tpu.dma_semaphore, #tpu.memory_space<semaphore_mem>>
      %dma_start3A_7 = tpu.memref_slice %arg3[%mul3A_2] : memref<2048xi32, #tpu.memory_space<hbm>> -> memref<64xi32, #tpu.memory_space<hbm>>
      %dma_start3A_8 = tpu.memref_slice %arg3[%mul3A_2] : memref<2048xi32, #tpu.memory_space<hbm>> -> memref<64xi32, #tpu.memory_space<hbm>>
      tpu.enqueue_dma source(%dma_start3A_8 : memref<64xi32, #tpu.memory_space<hbm>>) target(%arg5 : memref<64xi32, #tpu.memory_space<vmem>>) target_semaphore(%run_scoped3A : memref<!tpu.dma_semaphore, #tpu.memory_space<semaphore_mem>>)
      %dma_wait3A_9 = tpu.memref_slice %arg3[%mul3A_2] : memref<2048xi32, #tpu.memory_space<hbm>> -> memref<64xi32, #tpu.memory_space<hbm>>
      %dma_wait3A_10 = tpu.memref_slice %arg3[%mul3A_2] : memref<2048xi32, #tpu.memory_space<hbm>> -> memref<64xi32, #tpu.memory_space<hbm>>
      tpu.wait_dma2 semaphore(%run_scoped3A : memref<!tpu.dma_semaphore, #tpu.memory_space<semaphore_mem>>) src(%dma_wait3A_10 : memref<64xi32, #tpu.memory_space<hbm>>) dst(%arg5 : memref<64xi32, #tpu.memory_space<vmem>>)
      tpu.yield
    }) : () -> ()
    %dma_start3A = arith.constant 0 : i32
    %dma_start3A_3 = arith.constant 0 : i32
    %dma_start3A_4 = tpu.memref_slice %arg2[%dma_start3A, %dma_start3A_3] : memref<4992x768xf32, #tpu.memory_space<hbm>> -> memref<4992x768xf32, #tpu.memory_space<hbm>>
    tpu.enqueue_indirect_dma source(%dma_start3A_4 : memref<4992x768xf32, #tpu.memory_space<hbm>>) target(%arg6 : memref<64x768xf32, #tpu.memory_space<vmem>>) offsets(%arg5 : memref<64xi32, #tpu.memory_space<vmem>>) semaphore(%arg7 : memref<!tpu.dma_semaphore, #tpu.memory_space<semaphore_mem>>)
    %dma_wait3A = arith.constant 0 : i32
    %dma_wait3A_5 = arith.constant 0 : i32
    %dma_wait3A_6 = tpu.memref_slice %arg2[%dma_wait3A, %dma_wait3A_5] : memref<4992x768xf32, #tpu.memory_space<hbm>> -> memref<4992x768xf32, #tpu.memory_space<hbm>>
    tpu.wait_indirect_dma semaphore(%arg7 : memref<!tpu.dma_semaphore, #tpu.memory_space<semaphore_mem>>) src(%dma_wait3A_6 : memref<4992x768xf32, #tpu.memory_space<hbm>>) dst(%arg6 : memref<64x768xf32, #tpu.memory_space<vmem>>)
    "tpu.region"() ({
      %run_scoped3A = tpu.sem_alloc : memref<!tpu.dma_semaphore, #tpu.memory_space<semaphore_mem>>
      %dma_start3A_7 = arith.constant 0 : i32
      %dma_start3A_8 = tpu.memref_slice %arg4[%mul3A_2, %dma_start3A_7] : memref<2048x768xf32, #tpu.memory_space<hbm>> -> memref<64x768xf32, #tpu.memory_space<hbm>>
      %dma_start3A_9 = arith.constant 0 : i32
      %dma_start3A_10 = tpu.memref_slice %arg4[%mul3A_2, %dma_start3A_9] : memref<2048x768xf32, #tpu.memory_space<hbm>> -> memref<64x768xf32, #tpu.memory_space<hbm>>
      tpu.enqueue_dma source(%arg6 : memref<64x768xf32, #tpu.memory_space<vmem>>) target(%dma_start3A_10 : memref<64x768xf32, #tpu.memory_space<hbm>>) target_semaphore(%run_scoped3A : memref<!tpu.dma_semaphore, #tpu.memory_space<semaphore_mem>>)
      %dma_wait3A_11 = arith.constant 0 : i32
      %dma_wait3A_12 = tpu.memref_slice %arg4[%mul3A_2, %dma_wait3A_11] : memref<2048x768xf32, #tpu.memory_space<hbm>> -> memref<64x768xf32, #tpu.memory_space<hbm>>
      %dma_wait3A_13 = arith.constant 0 : i32
      %dma_wait3A_14 = tpu.memref_slice %arg4[%mul3A_2, %dma_wait3A_13] : memref<2048x768xf32, #tpu.memory_space<hbm>> -> memref<64x768xf32, #tpu.memory_space<hbm>>
      tpu.wait_dma2 semaphore(%run_scoped3A : memref<!tpu.dma_semaphore, #tpu.memory_space<semaphore_mem>>) src(%arg6 : memref<64x768xf32, #tpu.memory_space<vmem>>) dst(%dma_wait3A_14 : memref<64x768xf32, #tpu.memory_space<hbm>>)
      tpu.yield
    }) : () -> ()
    return
  }
}

module attributes {stable_mosaic.version = 14 : i64} {
  func.func @_ffn_body(%arg0: i32, %arg1: memref<14xi32, #tpu.memory_space<smem>>, %arg2: memref<384x768xf32, #tpu.memory_space<vmem>>, %arg3: memref<1x768x768xf32, #tpu.memory_space<vmem>>, %arg4: memref<1x1x768xf32, #tpu.memory_space<vmem>>, %arg5: memref<1x768x768xf32, #tpu.memory_space<vmem>>, %arg6: memref<1x1x768xf32, #tpu.memory_space<vmem>>, %arg7: memref<384x768xf32, #tpu.memory_space<vmem>>) attributes {dimension_semantics = [#tpu.dimension_semantics<arbitrary>], iteration_bounds = array<i64: 13>, scalar_prefetch = 1 : i64, scratch_operands = 0 : i64, tpu.core_type = #tpu.core_type<tc>, window_params = [{transform_indices = @transform_0, window_bounds = array<i64: 384, 768>}, {transform_indices = @transform_1, window_bounds = array<i64: 1, 768, 768>}, {transform_indices = @transform_2, window_bounds = array<i64: 1, 1, 768>}, {transform_indices = @transform_3, window_bounds = array<i64: 1, 768, 768>}, {transform_indices = @transform_4, window_bounds = array<i64: 1, 1, 768>}, {transform_indices = @transform_5, window_bounds = array<i64: 384, 768>}]} {
    %get3A = arith.constant 13 : index
    %get3A_0 = memref.load %arg1[%get3A] : memref<14xi32, #tpu.memory_space<smem>>
    %lt3A = arith.cmpi slt, %arg0, %get3A_0 : i32
    %convert_element_type3A = arith.extui %lt3A : i1 to i32
    %cond3A = arith.constant 0 : i32
    %cond3A_1 = arith.cmpi ne, %convert_element_type3A, %cond3A : i32
    scf.if %cond3A_1 {
      %get3A_2 = arith.constant 0 : index
      %get3A_3 = arith.constant 0 : index
      %get3A_4 = vector.load %arg2[%get3A_2, %get3A_3] : memref<384x768xf32, #tpu.memory_space<vmem>>, vector<384x768xf32>
      %get3A_5 = arith.constant 0 : index
      %get3A_6 = arith.constant 0 : index
      %get3A_7 = arith.constant 0 : index
      %get3A_8 = vector.load %arg3[%get3A_5, %get3A_6, %get3A_7] : memref<1x768x768xf32, #tpu.memory_space<vmem>>, vector<1x768x768xf32>
      %get3A_9 = vector.shape_cast %get3A_8 : vector<1x768x768xf32> to vector<768x768xf32>
      %dot_general3A = arith.constant dense<0.000000e+00> : vector<384x768xf32>
      %dot_general3A_10 = tpu.matmul %get3A_4, %get3A_9, %dot_general3A {dimension_numbers = #tpu.dot_dimension_numbers<[1], [0], [0], [1], [0, 0, 1, 1], [], []>, transpose_lhs_hint = false} : vector<384x768xf32>, vector<768x768xf32>, vector<384x768xf32> -> vector<384x768xf32>
      %get3A_11 = arith.constant 0 : index
      %get3A_12 = arith.constant 0 : index
      %get3A_13 = arith.constant 0 : index
      %get3A_14 = vector.load %arg4[%get3A_11, %get3A_12, %get3A_13] : memref<1x1x768xf32, #tpu.memory_space<vmem>>, vector<1x1x768xf32>
      %get3A_15 = vector.shape_cast %get3A_14 : vector<1x1x768xf32> to vector<1x768xf32>
      %add3A = vector.broadcast %get3A_15 : vector<1x768xf32> to vector<384x768xf32>
      %add3A_16 = arith.addf %dot_general3A_10, %add3A : vector<384x768xf32>
      %max3A = arith.constant 0.000000e+00 : f32
      %max3A_17 = vector.broadcast %max3A : f32 to vector<384x768xf32>
      %max3A_18 = arith.maximumf %add3A_16, %max3A_17 : vector<384x768xf32>
      %get3A_19 = arith.constant 0 : index
      %get3A_20 = arith.constant 0 : index
      %get3A_21 = arith.constant 0 : index
      %get3A_22 = vector.load %arg5[%get3A_19, %get3A_20, %get3A_21] : memref<1x768x768xf32, #tpu.memory_space<vmem>>, vector<1x768x768xf32>
      %get3A_23 = vector.shape_cast %get3A_22 : vector<1x768x768xf32> to vector<768x768xf32>
      %dot_general3A_24 = arith.constant dense<0.000000e+00> : vector<384x768xf32>
      %dot_general3A_25 = tpu.matmul %max3A_18, %get3A_23, %dot_general3A_24 {dimension_numbers = #tpu.dot_dimension_numbers<[1], [0], [0], [1], [0, 0, 1, 1], [], []>, transpose_lhs_hint = false} : vector<384x768xf32>, vector<768x768xf32>, vector<384x768xf32> -> vector<384x768xf32>
      %get3A_26 = arith.constant 0 : index
      %get3A_27 = arith.constant 0 : index
      %get3A_28 = arith.constant 0 : index
      %get3A_29 = vector.load %arg6[%get3A_26, %get3A_27, %get3A_28] : memref<1x1x768xf32, #tpu.memory_space<vmem>>, vector<1x1x768xf32>
      %get3A_30 = vector.shape_cast %get3A_29 : vector<1x1x768xf32> to vector<1x768xf32>
      %add3A_31 = vector.broadcast %get3A_30 : vector<1x768xf32> to vector<384x768xf32>
      %add3A_32 = arith.addf %dot_general3A_25, %add3A_31 : vector<384x768xf32>
      %swap3A = arith.constant 0 : index
      %swap3A_33 = arith.constant 0 : index
      %swap3A_34 = vector.load %arg7[%swap3A, %swap3A_33] : memref<384x768xf32, #tpu.memory_space<vmem>>, vector<384x768xf32>
      tpu.vector_store %arg7[%swap3A, %swap3A_33], %add3A_32 {strides = array<i32>} : memref<384x768xf32, #tpu.memory_space<vmem>>, vector<384x768xf32>,
    } else {
    }
    return
  }
  func.func @transform_0(%arg0: i32, %arg1: memref<14xi32, #tpu.memory_space<smem>>) -> (i32, i32) {
    %get3A = arith.constant 13 : index
    %get3A_0 = memref.load %arg1[%get3A] : memref<14xi32, #tpu.memory_space<smem>>
    %sub3A = arith.constant 1 : i32
    %sub3A_1 = arith.subi %get3A_0, %sub3A : i32
    %min3A = arith.minsi %arg0, %sub3A_1 : i32
    %c0_i32 = arith.constant 0 : i32
    %c0_i32_2 = arith.constant 0 : i32
    return %min3A, %c0_i32 : i32, i32
  }
  func.func @transform_1(%arg0: i32, %arg1: memref<14xi32, #tpu.memory_space<smem>>) -> (i32, i32, i32) {
    %get3A = arith.index_cast %arg0 : i32 to index
    %get3A_0 = memref.load %arg1[%get3A] : memref<14xi32, #tpu.memory_space<smem>>
    %c0_i32 = arith.constant 0 : i32
    %c0_i32_1 = arith.constant 0 : i32
    %c0_i32_2 = arith.constant 0 : i32
    return %get3A_0, %c0_i32, %c0_i32_1 : i32, i32, i32
  }
  func.func @transform_2(%arg0: i32, %arg1: memref<14xi32, #tpu.memory_space<smem>>) -> (i32, i32, i32) {
    %get3A = arith.index_cast %arg0 : i32 to index
    %get3A_0 = memref.load %arg1[%get3A] : memref<14xi32, #tpu.memory_space<smem>>
    %c0_i32 = arith.constant 0 : i32
    %c0_i32_1 = arith.constant 0 : i32
    %c0_i32_2 = arith.constant 0 : i32
    return %get3A_0, %c0_i32, %c0_i32_1 : i32, i32, i32
  }
  func.func @transform_3(%arg0: i32, %arg1: memref<14xi32, #tpu.memory_space<smem>>) -> (i32, i32, i32) {
    %get3A = arith.index_cast %arg0 : i32 to index
    %get3A_0 = memref.load %arg1[%get3A] : memref<14xi32, #tpu.memory_space<smem>>
    %c0_i32 = arith.constant 0 : i32
    %c0_i32_1 = arith.constant 0 : i32
    %c0_i32_2 = arith.constant 0 : i32
    return %get3A_0, %c0_i32, %c0_i32_1 : i32, i32, i32
  }
  func.func @transform_4(%arg0: i32, %arg1: memref<14xi32, #tpu.memory_space<smem>>) -> (i32, i32, i32) {
    %get3A = arith.index_cast %arg0 : i32 to index
    %get3A_0 = memref.load %arg1[%get3A] : memref<14xi32, #tpu.memory_space<smem>>
    %c0_i32 = arith.constant 0 : i32
    %c0_i32_1 = arith.constant 0 : i32
    %c0_i32_2 = arith.constant 0 : i32
    return %get3A_0, %c0_i32, %c0_i32_1 : i32, i32, i32
  }
  func.func @transform_5(%arg0: i32, %arg1: memref<14xi32, #tpu.memory_space<smem>>) -> (i32, i32) {
    %get3A = arith.constant 13 : index
    %get3A_0 = memref.load %arg1[%get3A] : memref<14xi32, #tpu.memory_space<smem>>
    %sub3A = arith.constant 1 : i32
    %sub3A_1 = arith.subi %get3A_0, %sub3A : i32
    %min3A = arith.minsi %arg0, %sub3A_1 : i32
    %c0_i32 = arith.constant 0 : i32
    %c0_i32_2 = arith.constant 0 : i32
    return %min3A, %c0_i32 : i32, i32
  }
}

module attributes {stable_mosaic.version = 14 : i64} {
  func.func @_router_body(%arg0: i32, %arg1: memref<1024x768xf32, #tpu.memory_space<vmem>>, %arg2: memref<8x768xf32, #tpu.memory_space<vmem>>, %arg3: memref<1x8xf32, #tpu.memory_space<vmem>>, %arg4: memref<1024x8xf32, #tpu.memory_space<vmem>>, %arg5: memref<1024x1xi32, #tpu.memory_space<vmem>>, %arg6: memref<2048x1xi32, #tpu.memory_space<vmem>>, %arg7: memref<1x14xi32, #tpu.memory_space<vmem>>, %arg8: memref<2x1024x8xf32, #tpu.memory_space<vmem>>, %arg9: memref<2x1024x8xf32, #tpu.memory_space<vmem>>, %arg10: memref<1x8xf32, #tpu.memory_space<vmem>>) attributes {dimension_semantics = [#tpu.dimension_semantics<arbitrary>], iteration_bounds = array<i64: 3>, scalar_prefetch = 0 : i64, scratch_operands = 3 : i64, tpu.core_type = #tpu.core_type<tc>, window_params = [{transform_indices = @transform_0, window_bounds = array<i64: 1024, 768>}, {pipeline_mode = #tpu.pipeline_mode<synchronous>, transform_indices = @transform_1, window_bounds = array<i64: 8, 768>}, {pipeline_mode = #tpu.pipeline_mode<synchronous>, transform_indices = @transform_2, window_bounds = array<i64: 1, 8>}, {transform_indices = @transform_3, window_bounds = array<i64: 1024, 8>}, {transform_indices = @transform_4, window_bounds = array<i64: 1024, 1>}, {pipeline_mode = #tpu.pipeline_mode<synchronous>, transform_indices = @transform_5, window_bounds = array<i64: 2048, 1>}, {pipeline_mode = #tpu.pipeline_mode<synchronous>, transform_indices = @transform_6, window_bounds = array<i64: 1, 14>}]} {
    %eq3A = arith.constant 0 : i32
    %eq3A_0 = arith.cmpi eq, %arg0, %eq3A : i32
    %convert_element_type3A = arith.extui %eq3A_0 : i1 to i32
    %cond3A = arith.constant 0 : i32
    %cond3A_1 = arith.cmpi ne, %convert_element_type3A, %cond3A : i32
    scf.if %cond3A_1 {
      %broadcast_in_dim3A = arith.constant 0.000000e+00 : f32
      %broadcast_in_dim3A_11 = vector.broadcast %broadcast_in_dim3A : f32 to vector<1x8xf32>
      %swap3A = arith.constant 0 : index
      %swap3A_12 = arith.constant 0 : index
      %swap3A_13 = vector.load %arg10[%swap3A, %swap3A_12] : memref<1x8xf32, #tpu.memory_space<vmem>>, vector<1x8xf32>
      tpu.vector_store %arg10[%swap3A, %swap3A_12], %broadcast_in_dim3A_11 {strides = array<i32>} : memref<1x8xf32, #tpu.memory_space<vmem>>, vector<1x8xf32>,
    } else {
    }
    %lt3A = arith.constant 2 : i32
    %lt3A_2 = arith.cmpi slt, %arg0, %lt3A : i32
    %convert_element_type3A_3 = arith.extui %lt3A_2 : i1 to i32
    %cond3A_4 = arith.constant 0 : i32
    %cond3A_5 = arith.cmpi ne, %convert_element_type3A_3, %cond3A_4 : i32
    scf.if %cond3A_5 {
      %get3A = arith.constant 0 : index
      %get3A_11 = arith.constant 0 : index
      %get3A_12 = vector.load %arg1[%get3A, %get3A_11] : memref<1024x768xf32, #tpu.memory_space<vmem>>, vector<1024x768xf32>
      %get3A_13 = arith.constant 0 : index
      %get3A_14 = arith.constant 0 : index
      %get3A_15 = vector.load %arg2[%get3A_13, %get3A_14] : memref<8x768xf32, #tpu.memory_space<vmem>>, vector<8x768xf32>
      %dot_general3A = arith.constant dense<0.000000e+00> : vector<1024x8xf32>
      %dot_general3A_16 = tpu.matmul %get3A_12, %get3A_15, %dot_general3A {dimension_numbers = #tpu.dot_dimension_numbers<[1], [1], [0], [0], [0, 0, 1, 0], [], []>, transpose_lhs_hint = false} : vector<1024x768xf32>, vector<8x768xf32>, vector<1024x8xf32> -> vector<1024x8xf32>
      %get3A_17 = arith.constant 0 : index
      %get3A_18 = arith.constant 0 : index
      %get3A_19 = vector.load %arg3[%get3A_17, %get3A_18] : memref<1x8xf32, #tpu.memory_space<vmem>>, vector<1x8xf32>
      %add3A = vector.broadcast %get3A_19 : vector<1x8xf32> to vector<1024x8xf32>
      %add3A_20 = arith.addf %dot_general3A_16, %add3A : vector<1024x8xf32>
      %reduce_max3A = arith.constant dense<0xFF800000> : vector<1024xf32>
      %reduce_max3A_21 = vector.multi_reduction <maximumf>, %add3A_20, %reduce_max3A [1] : vector<1024x8xf32> to vector<1024xf32>
      %broadcast_in_dim3A = vector.shape_cast %reduce_max3A_21 : vector<1024xf32> to vector<1024x1xf32>
      %sub3A = vector.broadcast %broadcast_in_dim3A : vector<1024x1xf32> to vector<1024x8xf32>
      %sub3A_22 = arith.subf %add3A_20, %sub3A : vector<1024x8xf32>
      %exp3A = math.exp %sub3A_22 : vector<1024x8xf32>
      %reduce_sum3A = arith.constant dense<0.000000e+00> : vector<1024xf32>
      %reduce_sum3A_23 = vector.multi_reduction <add>, %exp3A, %reduce_sum3A [1] : vector<1024x8xf32> to vector<1024xf32>
      %broadcast_in_dim3A_24 = vector.shape_cast %reduce_sum3A_23 : vector<1024xf32> to vector<1024x1xf32>
      %div3A = vector.broadcast %broadcast_in_dim3A_24 : vector<1024x1xf32> to vector<1024x8xf32>
      %div3A_25 = arith.divf %exp3A, %div3A : vector<1024x8xf32>
      %swap3A = arith.constant 0 : index
      %swap3A_26 = arith.constant 0 : index
      %swap3A_27 = vector.load %arg4[%swap3A, %swap3A_26] : memref<1024x8xf32, #tpu.memory_space<vmem>>, vector<1024x8xf32>
      tpu.vector_store %arg4[%swap3A, %swap3A_26], %div3A_25 {strides = array<i32>} : memref<1024x8xf32, #tpu.memory_space<vmem>>, vector<1024x8xf32>,
      %iota3A = tpu.iota {dimensions = array<i32: 1>} : vector<1024x8xi32>
      %eq3A_28 = vector.broadcast %broadcast_in_dim3A : vector<1024x1xf32> to vector<1024x8xf32>
      %eq3A_29 = arith.cmpf oeq, %add3A_20, %eq3A_28 : vector<1024x8xf32>
      %jit3A = arith.constant 8 : i32
      %broadcast_in_dim3A_30 = vector.broadcast %jit3A : i32 to vector<1024x8xi32>
      %select_n3A = arith.select %eq3A_29, %iota3A, %broadcast_in_dim3A_30 : vector<1024x8xi1>, vector<1024x8xi32>
      %reduce_min3A = arith.constant dense<2147483647> : vector<1024xi32>
      %reduce_min3A_31 = vector.multi_reduction <minsi>, %select_n3A, %reduce_min3A [1] : vector<1024x8xi32> to vector<1024xi32>
      %broadcast_in_dim3A_32 = vector.shape_cast %reduce_min3A_31 : vector<1024xi32> to vector<1024x1xi32>
      %swap3A_33 = arith.constant 0 : index
      %swap3A_34 = arith.constant 0 : index
      %swap3A_35 = vector.load %arg5[%swap3A_33, %swap3A_34] : memref<1024x1xi32, #tpu.memory_space<vmem>>, vector<1024x1xi32>
      tpu.vector_store %arg5[%swap3A_33, %swap3A_34], %broadcast_in_dim3A_32 {strides = array<i32>} : memref<1024x1xi32, #tpu.memory_space<vmem>>, vector<1024x1xi32>,
      %eq3A_36 = vector.broadcast %broadcast_in_dim3A_32 : vector<1024x1xi32> to vector<1024x8xi32>
      %eq3A_37 = arith.cmpi eq, %iota3A, %eq3A_36 : vector<1024x8xi32>
      %convert_element_type3A_38 = arith.extui %eq3A_37 : vector<1024x8xi1> to vector<1024x8xi32>
      %convert_element_type3A_39 = arith.sitofp %convert_element_type3A_38 : vector<1024x8xi32> to vector<1024x8xf32>
      %iota3A_40 = tpu.iota {dimensions = array<i32: 0>} : vector<1024x1024xi32>
      %iota3A_41 = tpu.iota {dimensions = array<i32: 1>} : vector<1024x1024xi32>
      %gt3A = arith.cmpi sgt, %iota3A_40, %iota3A_41 : vector<1024x1024xi32>
      %convert_element_type3A_42 = arith.extui %gt3A : vector<1024x1024xi1> to vector<1024x1024xi32>
      %convert_element_type3A_43 = arith.sitofp %convert_element_type3A_42 : vector<1024x1024xi32> to vector<1024x1024xf32>
      %dot_general3A_44 = arith.constant dense<0.000000e+00> : vector<1024x8xf32>
      %dot_general3A_45 = tpu.matmul %convert_element_type3A_43, %convert_element_type3A_39, %dot_general3A_44 {dimension_numbers = #tpu.dot_dimension_numbers<[1], [0], [0], [1], [0, 0, 1, 1], [], []>, transpose_lhs_hint = false} : vector<1024x1024xf32>, vector<1024x8xf32>, vector<1024x8xf32> -> vector<1024x8xf32>
      %get3A_46 = arith.constant 0 : index
      %get3A_47 = arith.constant 0 : index
      %get3A_48 = vector.load %arg10[%get3A_46, %get3A_47] : memref<1x8xf32, #tpu.memory_space<vmem>>, vector<1x8xf32>
      %add3A_49 = vector.broadcast %get3A_48 : vector<1x8xf32> to vector<1024x8xf32>
      %add3A_50 = arith.addf %dot_general3A_45, %add3A_49 : vector<1024x8xf32>
      %swap3A_51 = arith.index_cast %arg0 : i32 to index
      %swap3A_52 = arith.constant 0 : index
      %swap3A_53 = arith.constant 0 : index
      %swap3A_54 = vector.load %arg8[%swap3A_51, %swap3A_52, %swap3A_53] : memref<2x1024x8xf32, #tpu.memory_space<vmem>>, vector<1x1024x8xf32>
      %swap3A_55 = vector.shape_cast %swap3A_54 : vector<1x1024x8xf32> to vector<1024x8xf32>
      %swap3A_56 = vector.shape_cast %add3A_50 : vector<1024x8xf32> to vector<1x1024x8xf32>
      tpu.vector_store %arg8[%swap3A_51, %swap3A_52, %swap3A_53], %swap3A_56 {strides = array<i32>} : memref<2x1024x8xf32, #tpu.memory_space<vmem>>, vector<1x1024x8xf32>,
      %swap3A_57 = arith.index_cast %arg0 : i32 to index
      %swap3A_58 = arith.constant 0 : index
      %swap3A_59 = arith.constant 0 : index
      %swap3A_60 = vector.load %arg9[%swap3A_57, %swap3A_58, %swap3A_59] : memref<2x1024x8xf32, #tpu.memory_space<vmem>>, vector<1x1024x8xf32>
      %swap3A_61 = vector.shape_cast %swap3A_60 : vector<1x1024x8xf32> to vector<1024x8xf32>
      %swap3A_62 = vector.shape_cast %convert_element_type3A_39 : vector<1024x8xf32> to vector<1x1024x8xf32>
      tpu.vector_store %arg9[%swap3A_57, %swap3A_58, %swap3A_59], %swap3A_62 {strides = array<i32>} : memref<2x1024x8xf32, #tpu.memory_space<vmem>>, vector<1x1024x8xf32>,
      %get3A_63 = arith.constant 0 : index
      %get3A_64 = arith.constant 0 : index
      %get3A_65 = vector.load %arg10[%get3A_63, %get3A_64] : memref<1x8xf32, #tpu.memory_space<vmem>>, vector<1x8xf32>
      %reduce_sum3A_66 = arith.constant dense<0.000000e+00> : vector<8xf32>
      %reduce_sum3A_67 = vector.multi_reduction <add>, %convert_element_type3A_39, %reduce_sum3A_66 [0] : vector<1024x8xf32> to vector<8xf32>
      %broadcast_in_dim3A_68 = vector.shape_cast %reduce_sum3A_67 : vector<8xf32> to vector<1x8xf32>
      %add3A_69 = arith.addf %get3A_65, %broadcast_in_dim3A_68 : vector<1x8xf32>
      %swap3A_70 = arith.constant 0 : index
      %swap3A_71 = arith.constant 0 : index
      %swap3A_72 = vector.load %arg10[%swap3A_70, %swap3A_71] : memref<1x8xf32, #tpu.memory_space<vmem>>, vector<1x8xf32>
      tpu.vector_store %arg10[%swap3A_70, %swap3A_71], %add3A_69 {strides = array<i32>} : memref<1x8xf32, #tpu.memory_space<vmem>>, vector<1x8xf32>,
    } else {
    }
    %eq3A_6 = arith.constant 2 : i32
    %eq3A_7 = arith.cmpi eq, %arg0, %eq3A_6 : i32
    %convert_element_type3A_8 = arith.extui %eq3A_7 : i1 to i32
    %cond3A_9 = arith.constant 0 : i32
    %cond3A_10 = arith.cmpi ne, %convert_element_type3A_8, %cond3A_9 : i32
    scf.if %cond3A_10 {
      %get3A = arith.constant 0 : index
      %get3A_11 = arith.constant 0 : index
      %get3A_12 = vector.load %arg10[%get3A, %get3A_11] : memref<1x8xf32, #tpu.memory_space<vmem>>, vector<1x8xf32>
      %add3A = arith.constant 3.830000e+02 : f32
      %add3A_13 = vector.broadcast %add3A : f32 to vector<1x8xf32>
      %add3A_14 = arith.addf %get3A_12, %add3A_13 : vector<1x8xf32>
      %mul3A = arith.constant 0.00260416674 : f32
      %mul3A_15 = vector.broadcast %mul3A : f32 to vector<1x8xf32>
      %mul3A_16 = arith.mulf %add3A_14, %mul3A_15 : vector<1x8xf32>
      %floor3A = math.floor %mul3A_16 : vector<1x8xf32>
      %iota3A = tpu.iota {dimensions = array<i32: 0>} : vector<8x8xi32>
      %iota3A_17 = tpu.iota {dimensions = array<i32: 1>} : vector<8x8xi32>
      %lt3A_18 = arith.cmpi slt, %iota3A, %iota3A_17 : vector<8x8xi32>
      %convert_element_type3A_19 = arith.extui %lt3A_18 : vector<8x8xi1> to vector<8x8xi32>
      %convert_element_type3A_20 = arith.sitofp %convert_element_type3A_19 : vector<8x8xi32> to vector<8x8xf32>
      %eq3A_21 = arith.cmpi eq, %iota3A, %iota3A_17 : vector<8x8xi32>
      %convert_element_type3A_22 = arith.extui %eq3A_21 : vector<8x8xi1> to vector<8x8xi32>
      %convert_element_type3A_23 = arith.sitofp %convert_element_type3A_22 : vector<8x8xi32> to vector<8x8xf32>
      %dot_general3A = arith.constant dense<0.000000e+00> : vector<1x8xf32>
      %dot_general3A_24 = tpu.matmul %floor3A, %convert_element_type3A_20, %dot_general3A {dimension_numbers = #tpu.dot_dimension_numbers<[1], [0], [0], [1], [0, 0, 1, 1], [], []>, precision = #tpu.contract_precision<fp32>, transpose_lhs_hint = false} : vector<1x8xf32>, vector<8x8xf32>, vector<1x8xf32> -> vector<1x8xf32>
      %mul3A_25 = arith.constant 3.840000e+02 : f32
      %mul3A_26 = vector.broadcast %mul3A_25 : f32 to vector<1x8xf32>
      %mul3A_27 = arith.mulf %dot_general3A_24, %mul3A_26 : vector<1x8xf32>
      %get3A_28 = arith.constant 0 : index
      %get3A_29 = arith.constant 0 : index
      %get3A_30 = arith.constant 0 : index
      %get3A_31 = vector.load %arg9[%get3A_28, %get3A_29, %get3A_30] : memref<2x1024x8xf32, #tpu.memory_space<vmem>>, vector<2x1024x8xf32>
      %get3A_32 = arith.constant 0 : index
      %get3A_33 = arith.constant 0 : index
      %get3A_34 = arith.constant 0 : index
      %get3A_35 = vector.load %arg8[%get3A_32, %get3A_33, %get3A_34] : memref<2x1024x8xf32, #tpu.memory_space<vmem>>, vector<2x1024x8xf32>
      %reshape3A = vector.shape_cast %mul3A_27 : vector<1x8xf32> to vector<1x1x8xf32>
      %add3A_36 = vector.broadcast %reshape3A : vector<1x1x8xf32> to vector<2x1024x8xf32>
      %add3A_37 = arith.addf %get3A_35, %add3A_36 : vector<2x1024x8xf32>
      %mul3A_38 = arith.mulf %get3A_31, %add3A_37 : vector<2x1024x8xf32>
      %reduce_sum3A = arith.constant dense<0.000000e+00> : vector<2x1024xf32>
      %reduce_sum3A_39 = vector.multi_reduction <add>, %mul3A_38, %reduce_sum3A [2] : vector<2x1024x8xf32> to vector<2x1024xf32>
      %broadcast_in_dim3A = vector.shape_cast %reduce_sum3A_39 : vector<2x1024xf32> to vector<2x1024x1xf32>
      %reshape3A_40 = vector.shape_cast %broadcast_in_dim3A : vector<2x1024x1xf32> to vector<2048x1xf32>
      %convert_element_type3A_41 = arith.fptosi %reshape3A_40 : vector<2048x1xf32> to vector<2048x1xi32>
      %swap3A = arith.constant 0 : index
      %swap3A_42 = arith.constant 0 : index
      %swap3A_43 = vector.load %arg6[%swap3A, %swap3A_42] : memref<2048x1xi32, #tpu.memory_space<vmem>>, vector<2048x1xi32>
      tpu.vector_store %arg6[%swap3A, %swap3A_42], %convert_element_type3A_41 {strides = array<i32>} : memref<2048x1xi32, #tpu.memory_space<vmem>>, vector<2048x1xi32>,
      %dot_general3A_44 = arith.constant dense<0.000000e+00> : vector<8x1xf32>
      %dot_general3A_45 = tpu.matmul %convert_element_type3A_23, %dot_general3A_24, %dot_general3A_44 {dimension_numbers = #tpu.dot_dimension_numbers<[1], [1], [0], [0], [0, 0, 1, 0], [], []>, precision = #tpu.contract_precision<fp32>, transpose_lhs_hint = false} : vector<8x8xf32>, vector<1x8xf32>, vector<8x1xf32> -> vector<8x1xf32>
      %iota3A_46 = tpu.iota {dimensions = array<i32: 1>} : vector<8x13xi32>
      %convert_element_type3A_47 = arith.sitofp %iota3A_46 : vector<8x13xi32> to vector<8x13xf32>
      %ge3A = vector.broadcast %dot_general3A_45 : vector<8x1xf32> to vector<8x13xf32>
      %ge3A_48 = arith.cmpf oge, %convert_element_type3A_47, %ge3A : vector<8x13xf32>
      %convert_element_type3A_49 = arith.extui %ge3A_48 : vector<8x13xi1> to vector<8x13xi32>
      %convert_element_type3A_50 = arith.sitofp %convert_element_type3A_49 : vector<8x13xi32> to vector<8x13xf32>
      %reduce_sum3A_51 = arith.constant dense<0.000000e+00> : vector<13xf32>
      %reduce_sum3A_52 = vector.multi_reduction <add>, %convert_element_type3A_50, %reduce_sum3A_51 [0] : vector<8x13xf32> to vector<13xf32>
      %broadcast_in_dim3A_53 = vector.shape_cast %reduce_sum3A_52 : vector<13xf32> to vector<1x13xf32>
      %sub3A = arith.constant 1.000000e+00 : f32
      %sub3A_54 = vector.broadcast %sub3A : f32 to vector<1x13xf32>
      %sub3A_55 = arith.subf %broadcast_in_dim3A_53, %sub3A_54 : vector<1x13xf32>
      %reduce_sum3A_56 = arith.constant dense<0.000000e+00> : vector<1xf32>
      %reduce_sum3A_57 = vector.multi_reduction <add>, %floor3A, %reduce_sum3A_56 [1] : vector<1x8xf32> to vector<1xf32>
      %broadcast_in_dim3A_58 = vector.shape_cast %reduce_sum3A_57 : vector<1xf32> to vector<1x1xf32>
      %concatenate3A = tpu.concatenate %sub3A_55, %broadcast_in_dim3A_58 in 1 : vector<1x13xf32>, vector<1x1xf32> -> vector<1x14xf32>
      %convert_element_type3A_59 = arith.fptosi %concatenate3A : vector<1x14xf32> to vector<1x14xi32>
      %swap3A_60 = arith.constant 0 : index
      %swap3A_61 = arith.constant 0 : index
      %swap3A_62 = vector.load %arg7[%swap3A_60, %swap3A_61] : memref<1x14xi32, #tpu.memory_space<vmem>>, vector<1x14xi32>
      tpu.vector_store %arg7[%swap3A_60, %swap3A_61], %convert_element_type3A_59 {strides = array<i32>} : memref<1x14xi32, #tpu.memory_space<vmem>>, vector<1x14xi32>,
    } else {
    }
    return
  }
  func.func @transform_0(%arg0: i32) -> (i32, i32) {
    %min3A = arith.constant 1 : i32
    %min3A_0 = arith.minsi %arg0, %min3A : i32
    %c0_i32 = arith.constant 0 : i32
    %c0_i32_1 = arith.constant 0 : i32
    return %min3A_0, %c0_i32 : i32, i32
  }
  func.func @transform_1(%arg0: i32) -> (i32, i32) {
    %c0_i32 = arith.constant 0 : i32
    %c0_i32_0 = arith.constant 0 : i32
    %c0_i32_1 = arith.constant 0 : i32
    return %c0_i32, %c0_i32_0 : i32, i32
  }
  func.func @transform_2(%arg0: i32) -> (i32, i32) {
    %c0_i32 = arith.constant 0 : i32
    %c0_i32_0 = arith.constant 0 : i32
    %c0_i32_1 = arith.constant 0 : i32
    return %c0_i32, %c0_i32_0 : i32, i32
  }
  func.func @transform_3(%arg0: i32) -> (i32, i32) {
    %min3A = arith.constant 1 : i32
    %min3A_0 = arith.minsi %arg0, %min3A : i32
    %c0_i32 = arith.constant 0 : i32
    %c0_i32_1 = arith.constant 0 : i32
    return %min3A_0, %c0_i32 : i32, i32
  }
  func.func @transform_4(%arg0: i32) -> (i32, i32) {
    %min3A = arith.constant 1 : i32
    %min3A_0 = arith.minsi %arg0, %min3A : i32
    %c0_i32 = arith.constant 0 : i32
    %c0_i32_1 = arith.constant 0 : i32
    return %min3A_0, %c0_i32 : i32, i32
  }
  func.func @transform_5(%arg0: i32) -> (i32, i32) {
    %c0_i32 = arith.constant 0 : i32
    %c0_i32_0 = arith.constant 0 : i32
    %c0_i32_1 = arith.constant 0 : i32
    return %c0_i32, %c0_i32_0 : i32, i32
  }
  func.func @transform_6(%arg0: i32) -> (i32, i32) {
    %c0_i32 = arith.constant 0 : i32
    %c0_i32_0 = arith.constant 0 : i32
    %c0_i32_1 = arith.constant 0 : i32
    return %c0_i32, %c0_i32_0 : i32, i32
  }
}

</mosaic_0001>

<sc_bundles>
// kernel: kernel.6.cloned.1.call-start
scs
__scs_entry_jumppad:
0x0: {  	(pc) =	sbr.rel $0x88, $3  }
0x1: {  	(tag) =	ssettag $0x0;
	lr =	simm.s32 $0x1  }
0x2: {  	[smem:$0x3F9A] =	sst lr;
	_ =	strace $0xD0000000  }
0x3: {  	_ = 	snop  }
0x4: {  	_ = 	snop  }
0x5: {  	_ = 	snop  }
0x6: {  	_ = 	snop  }
0x7: {  	_ = 	snop  }
__scs_overlays_trampoline_lowered:
0x8: {  	[smem:$0x3FA9] =	sst s0  }
0x9: {  	[smem:$0x3FAA] =	sst s1  }
0xa: {  	[smem:$0x3FAB] =	sst s2  }
0xb: {  	[smem:$0x3FAC] =	sst s3  }
0xc: {  	[smem:$0x3FAD] =	sst s4  }
0xd: {  	[smem:$0x3FAE] =	sst s5  }
0xe: {  	[smem:$0x3FAF] =	sst s6  }
0xf: {  	[smem:$0x3FB0] =	sst s7  }
0x10: {  	[smem:$0x3FB1] =	sst s8  }
0x11: {  	[smem:$0x3FB2] =	sst s9;
	s0 =	simm.s32 @!p0 $0x0  }
0x12: {  	s1 =	sld [smem:$0x3F98];
	s0 =	simm.s32 @p0 $0x1  }
0x13: {  	[smem:$0x3FB3] =	sst s0;
	s0 =	simm.s32 @!p1 $0x0  }
0x14: {  	s2 =	sld [smem:$0x3F97];
	s0 =	simm.s32 @p1 $0x1  }
0x15: {  	[smem:$0x3FB4] =	sst s0;
	s0 =	simm.s32 @!p2 $0x0  }
0x16: {  	s3 =	sld [smem:$0x3FDB];
	s0 =	simm.s32 @p2 $0x1  }
0x17: {  	s4 =	simm.s32 $0x1BF5;
	[smem:$0x3FB6] =	sst s0  }
0x18: {  	s0 =	sld [smem:$0x3F99];
	_ =	swait.ge [sflag:s4], $0x0  }
0x19: {  	s7 =	sld [smem:$0x3F9A]  }
0x1a: {  	s8 =	sadd.s32 $0xFFFFE003, lr  }
0x1b: {  	s9 =	sadd.s32 $0xFFFFFEF7, lr;
	s5 =	simm.s32 $0xFFFFFFFF;
	p2 =	slt.u32 s8, $0xFFFFF086  }
0x1c: {  	p1 =	slt.u32 s9, $0xF7A;
	s5 =	simm.s32 @!p2 $0x0  }
0x1d: {  	s5 =	simm.s32 @p1 $0x1;
	p0 =	seq.s32 s7, s2  }
0x1e: {  	s7 =	smul.u32 @!p0 $0xF7A, s2;
	p2 =	seq.s32 @!p0 s5, $0x0  }
0x1f: {  	s9 =	smul.u32 $0xF7A, s1;
	s8 =	simm.s32 @!p0 $0x1BF5;
	p2 =	por !p2, p0  }
0x20: {  	[sflag:s8] =	ssyncset.s32 @!p0 $0xFFFFF086;
	s6 =	sadd.s32 @!p0 s3, s7;
	s7 =	simm.s32 @!p0 $0x108  }
0x21: {  	s3 =	sadd.s32 s3, s9;
	s6 =	sadd.s32 @!p0 $0x88, s6;
	s7 =	simm.s32 @p2 $0x1082  }
0x22: {  	[simem:s7], [sflag:s8] =	dma.local @!p0 [hbm:s6], $0xF7A  }
0x23: {  	s9 =	sor.u32 $0xD0000000, s2;
	s6 =	simm.s32 $0x108;
	_ =	swait.ge @!p0 [sflag:s8], $0x0  }
0x24: {  	s3 =	sadd.s32 $0x88, s3;
	s6 =	simm.s32 @!p1 $0x1082;
	[sflag:s4] =	ssyncset.s32 $0xFFFFF086  }
0x25: {  	[simem:s6], [sflag:s4] =	dma.local [hbm:s3], $0xF7A  }
0x26: {  	[smem:$0x3F9A] =	sst s1;
	(tag) =	ssettag s2;
	_ =	strace s9  }
0x27: {  	s1 =	sld [smem:$0x3FAA]  }
0x28: {  	s2 =	sld [smem:$0x3FAB]  }
0x29: {  	s4 =	sld [smem:$0x3FAD]  }
0x2a: {  	p0 =	seq.s32 s5, $0x0;
	s5 =	sld [smem:$0x3FAE]  }
0x2b: {  	s6 =	sld [smem:$0x3FAF]  }
0x2c: {  	s7 =	sld [smem:$0x3FB0]  }
0x2d: {  	s3 =	simm.s32 $0x108;
	s8 =	sld [smem:$0x3FB1]  }
0x2e: {  	s3 =	simm.s32 @!p0 $0x1082;
	s9 =	sld [smem:$0x3FB2]  }
0x2f: {  	lr =	sadd.s32 s0, s3;
	s0 =	sld [smem:$0x3FA9]  }
0x30: {  	s3 =	sld [smem:$0x3FAC]  }
0x31: {  	[smem:$0x3FB5] =	sst s10  }
0x32: {  	s10 =	sld [smem:$0x3FB3];
	_ =	sdelay $0x3  }
0x33: {  	p0 =	seq.s32 s10, $0x1;
	s10 =	sld [smem:$0x3FB5];
	_ =	sdelay $0x3  }
0x34: {  	[smem:$0x3FB5] =	sst s10  }
0x35: {  	s10 =	sld [smem:$0x3FB4];
	_ =	sdelay $0x3  }
0x36: {  	p1 =	seq.s32 s10, $0x1;
	s10 =	sld [smem:$0x3FB5];
	_ =	sdelay $0x3  }
0x37: {  	[smem:$0x3FB5] =	sst s10  }
0x38: {  	s10 =	sld [smem:$0x3FB6]  }
0x39: {  	_ = 	snop;
	(pc) =	sbr.ind lr, $3  }
0x3a: {  	_ = 	snop  }
0x3b: {  	_ = 	snop  }
0x3c: {  	p2 =	seq.s32 s10, $0x1;
	s10 =	sld [smem:$0x3FB5]  }
0x3d: {  	_ =	shalt  }
0x3e: {  	_ =	shalt  }
0x3f: {  	_ =	shalt  }
0x40: {  	_ =	shalt  }
0x41: {  	_ =	shalt  }
0x42: {  	_ =	shalt  }
0x43: {  	_ =	shalt  }
0x44: {  	_ =	shalt  }
0x45: {  	_ =	shalt  }
0x46: {  	_ =	shalt  }
0x47: {  	_ =	shalt  }
0x48: {  	_ =	shalt  }
0x49: {  	_ =	shalt  }
0x4a: {  	_ =	shalt  }
0x4b: {  	_ =	shalt  }
0x4c: {  	_ =	shalt  }
0x4d: {  	_ =	shalt  }
0x4e: {  	_ =	shalt  }
0x4f: {  	_ =	shalt  }
0x50: {  	_ =	shalt  }
0x51: {  	_ =	shalt  }
0x52: {  	_ =	shalt  }
0x53: {  	_ =	shalt  }
0x54: {  	_ =	shalt  }
0x55: {  	_ =	shalt  }
0x56: {  	_ =	shalt  }
0x57: {  	_ =	shalt  }
0x58: {  	_ =	shalt  }
0x59: {  	_ =	shalt  }
0x5a: {  	_ =	shalt  }
0x5b: {  	_ =	shalt  }
0x5c: {  	_ =	shalt  }
0x5d: {  	_ =	shalt  }
0x5e: {  	_ =	shalt  }
0x5f: {  	_ =	shalt  }
0x60: {  	_ =	shalt  }
0x61: {  	_ =	shalt  }
0x62: {  	_ =	shalt  }
0x63: {  	_ =	shalt  }
0x64: {  	_ =	shalt  }
0x65: {  	_ =	shalt  }
0x66: {  	_ =	shalt  }
0x67: {  	_ =	shalt  }
0x68: {  	_ =	shalt  }
0x69: {  	_ =	shalt  }
0x6a: {  	_ =	shalt  }
0x6b: {  	_ =	shalt  }
0x6c: {  	_ =	shalt  }
0x6d: {  	_ =	shalt  }
0x6e: {  	_ =	shalt  }
0x6f: {  	_ =	shalt  }
0x70: {  	_ =	shalt  }
0x71: {  	_ =	shalt  }
0x72: {  	_ =	shalt  }
0x73: {  	_ =	shalt  }
0x74: {  	_ =	shalt  }
0x75: {  	_ =	shalt  }
0x76: {  	_ =	shalt  }
0x77: {  	_ =	shalt  }
0x78: {  	_ =	shalt  }
0x79: {  	_ =	shalt  }
0x7a: {  	_ =	shalt  }
0x7b: {  	_ =	shalt  }
0x7c: {  	_ =	shalt  }
0x7d: {  	_ =	shalt  }
0x7e: {  	_ =	shalt  }
0x7f: {  	_ =	shalt  }
0x80: {  	_ =	shalt  }
0x81: {  	_ =	shalt  }
0x82: {  	_ =	shalt  }
0x83: {  	_ =	shalt  }
0x84: {  	_ =	shalt  }
0x85: {  	_ =	shalt  }
0x86: {  	_ =	shalt  }
0x87: {  	_ =	shalt  }
.Lfunc_end0:
.L_simem_size_0:
called_computation_lowered:
.L_overlay_start_0:
0x88: {  	s2 =	sld [smem:$0x3FD9]  }
0x89: {  	s3 =	sld [smem:$0x3FFE];
	_ =	sdelay $0x1  }
0x8a: {  	s1 =	srdreg.scid  }
0x8b: {  	s0 =	sand.u32 $0x1, s1  }
0x8c: {  	s17 =	sshll.u32 s0, $0xA;
	s2 =	sadd.s32 s3, s2  }
0x8d: {  	s2 =	sadd.s32 s2, s17  }
0x8e: {  	[smem:$0x3FC1] =	sst s2  }
0x8f: {  	_ = 	snop  }
0x90: {  	s2 =	sld [smem:$0x3FC9];
	(tm) =	ssettm $0x1  }
0x91: {  	s18 =	sld [smem:$0x3FFB];
	_ =	sdelay $0x3  }
0x92: {  	_ =	strace s18  }
0x93: {  	s3 =	sld [smem:$0x3FFC];
	_ =	sdelay $0x3  }
0x94: {  	_ =	strace s3  }
0x95: {  	s3 =	sld [smem:$0x3FFD];
	_ =	sdelay $0x3  }
0x96: {  	_ =	strace s3  }
0x97: {  	_ =	strace $0x8FFFFFFF  }
0x98: {  	s19 =	sld [smem:$0x3FDB];
	_ =	sdelay $0x1  }
0x99: {  	s4 =	simm.s32 $_scs_section_size  }
0x9a: {  	s5 =	simm.s32 $_size__tile_overlayer_lowered;
	s6 =	simm.s32 $_tile_overlayer_lowered  }
0x9b: {  	s22 =	simm.s32 $0x1BFF;
	s21 =	sshll.u32 s6, $0x1;
	s3 =	sadd.s32 s4, s19  }
0x9c: {  	s7 =	simm.s32 $0x0;
	s20 =	sshll.u32 s5, $0x1;
	s5 =	sadd.s32 s21, s3  }
0x9d: {  	[timem:s7], [sflag:s22] =	dma.local [hbm:s5], s20  }
0x9e: {  	_ =	swait.ge [sflag:s22], s20  }
0x9f: {  	s4 =	ssub.s32 $0x0, s20;
	[sflag:s22] =	ssyncset.done $0x0  }
0xa0: {  	[sflag:s22] =	ssyncadd.s32 s4;
	_ =	sdelay $0x1  }
0xa1: {  	s23 =	simm.s32 $0x1B8B  }
0xa2: {  	_ =	swait.ge [sflag:s23], $0x1  }
0xa3: {  	[sflag:s23] =	ssyncset.done $0x0  }
0xa4: {  	s25 =	simm.s32 $0x1B8E;
	s24 =	sld [smem:$0x3FFE];
	[sflag:s23] =	ssyncadd.s32 $0xFFFFFFFF  }
0xa5: {  	s26 =	simm.s32 $execute0_lowered;
	[smem:$0x3FD2] =	sst s25  }
0xa6: {  	s5 =	sshll.u32 s26, $0x1;
	_ =	strace $0x80000046;
	[dreg:$0x1] =	wrdreg $0xFFFFFFFF  }
0xa7: {  	s28 =	simm.s32 $_size_execute0_lowered;
	s3 =	sadd.s32 s3, s5;
	[dreg:$0x0] =	wrdreg $0x0  }
0xa8: {  	s5 =	sshll.u32 s28, $0x1;
	[dreg:$0x2] =	wrdreg s3  }
0xa9: {  	[dreg:$0x3] =	wrdreg s5  }
0xaa: {  	[dreg:$0x4] =	wrdreg $0xC0  }
0xab: {  	_ =	task [dreg:s7], $0x5FFFF  }
0xac: {  	[dreg:$0x1] =	wrdreg $0xFFFFFFFF  }
0xad: {  	[dreg:$0x0] =	wrdreg $0x60  }
0xae: {  	[dreg:$0x2] =	wrdreg s2  }
0xaf: {  	[dreg:$0x3] =	wrdreg s24  }
0xb0: {  	[dreg:$0x4] =	wrdreg $0x9  }
0xb1: {  	_ =	task.clear_ibuf [dreg:s7], $0x5FFFF;
	_ =	strace $0x90000046  }
0xb2: {  	s29 =	simm.s32 $0x9;
	_ =	strace $0x80000048  }
0xb3: {  	_ =	swait.ge [sflag:s29], $0x1  }
0xb4: {  	[sflag:s29] =	ssyncadd.s32 $0xFFFFFFFF  }
0xb5: {  	_ =	strace $0x90000048  }
0xb6: {  	_ =	sfence  }
0xb7: {  	s30 =	sld [smem:$0x0];
	_ =	sdelay $0x2  }
0xb8: {  	s31 =	sshll.u32 s1, $0xD;
	s1 =	sshrl.u32 s1, $0x2  }
0xb9: {  	s3 =	sand.u32 $0x4000, s31;
	s1 =	sadd.s32 s1, s30  }
0xba: {  	s0 =	sor.u32 s3, s0;
	s1 =	sshll.u32 s1, $0x11  }
0xbb: {  	s0 =	sor.u32 s1, s0  }
0xbc: {  	s0 =	sadd.s32 $0x8F2B, s0  }
0xbd: {  	[sflag:s0] =	ssyncadd.remote.s32 $0x1  }
0xbe: {  	_ =	sfence.sel $0xFFFF  }
0xbf: {  	[dreg:$0x0] =	wrdreg $0xFFFFFFFF;
	(pc) =	sbr.abs _section_cstart, $3  }
0xc0: {  	[dreg:$0x1] =	wrdreg $0xFFFFFFFF  }
0xc1: {  	_ =	task.clear_ibuf [dreg:s7], $0x2FFFF;
	_ =	strace $0x9FFFFFFF  }
0xc2: {  	(tm) =	ssettm $0x7FFFFFFF  }
0xc3: {  	_ =	shalt  }
tec
execute0_lowered:
.L_overlay_start_1:
0x0: {  	(tag) =	ssettag $0x1  }
0x1: {  	s1 =	srdreg.scid  }
0x2: {  	s3 =	rddreg [dreg:$0x0];
	s0 =	stileid.u32  }
0x3: {  	s5 =	rddreg [dreg:$0x1];
	s2 =	simm.s32 $0x0;
	s8 =	simm.s32 $0x80  }
0x4: {  	s26 =	simm.s32 $0x880;
	s9 =	simm.s32 $0x1080;
	s10 =	simm.s32 $0x1880  }
0x5: {  	s11 =	simm.s32 $0x2080;
	s12 =	simm.s32 $0x2880;
	s13 =	simm.s32 $0x3080  }
0x6: {  	s14 =	simm.s32 $0x3880;
	s15 =	simm.s32 $0x4080;
	s16 =	simm.s32 $0x4880  }
0x7: {  	s17 =	simm.s32 $0x5080;
	s18 =	simm.s32 $0x5880;
	s19 =	simm.s32 $0x6080  }
0x8: {  	s20 =	simm.s32 $0x6880;
	s21 =	simm.s32 $0x7080;
	s22 =	simm.s32 $0x7880  }
0x9: {  	s23 =	simm.s32 $0x8080;
	s24 =	simm.s32 $0x8880;
	s25 =	simm.s32 $0x9080  }
0xa: {  	s28 =	simm.s32 $0xA080;
	s29 =	simm.s32 $0xA880;
	s30 =	simm.s32 $0xB080  }
0xb: {  	s31 =	simm.s32 $0xB880;
	s1 =	sand.u32 $0x1, s1;
	[smem:$0x7FF] =	sst s2  }
0xc: {  	s4 =	sshll.u32 s0, $0x4;
	s6 =	sshll.u32 s1, $0x3;
	_ =	strace $0x80000047  }
0xd: {  	s1 =	ssub.s32 $0x2, s1;
	[dreg:$0x5] =	wrdreg s26;
	s4 =	sor.u32 s6, s4  }
0xe: {  	s7 =	sshrl.u32 s1, $0x1;
	s6 =	sadd.s32 s4, s5;
	s4 =	smul.u32 $0x300, s4  }
0xf: {  	s26 =	simm.s32 $0x9880;
	s1 =	ssub.s32 s1, s7;
	s6 =	sadd.s32 $0xC00, s6  }
0x10: {  	v2 =	vlaneseq.u32;
	s7 =	simm.s32 $0x2;
	[dreg:$0x3] =	wrdreg s6;
	s4 =	sadd.s32 s3, s4  }
0x11: {  	vm0 =	vmmov $0xffff;
	v1 =	vshrl.u32 v2, $0x3;
	s3 =	sadd.s32 $0xE00, s5;
	s6 =	smax.u32 s1, $0x1;
	s1 =	simm.s32 $0x1  }
0x12: {  	v0 =	vand.u32 $0x7, v2;
	v2 =	vor.u32 $0x8, v2;
	v1 =	vmul.u32 $0x8, v1;
	[dreg:$0x4] =	wrdreg s4;
	s4 =	sadd.s32 $0xF00, s5;
	s5 =	sadd.s32 $0x1000, s5  }
.LBB2_1:
0x13: {  	s0 =	rddreg [dreg:$0x3]  }
0x14: {  	[tilespmem:s2], [sflag:$0x2] =	stream.linear.gather [hbm4b:s0+s2], $0x40, $0x38;
	[tilespmem:$0xC080] =	vst v63  }
0x15: {  	_ =	swait.ge [sflag:s7], $0x40  }
0x16: {  	[sflag:s7] =	ssyncset.done $0x0  }
0x17: {  	s0 =	rddreg [dreg:$0x4];
	[sflag:s7] =	ssyncadd.s32 $0xFFFFFFC0  }
0x18: {  	[tilespmem:s8], [sflag:$0x2] =	stream.linear.gather [hbm4b:s0+s2], $0xC000, $0x38;
	[tilespmem:$0xC080] =	vst v63  }
0x19: {  	_ =	swait.ge [sflag:s7], $0xC000  }
0x1a: {  	[sflag:s7] =	ssyncset.done $0x0  }
0x1b: {  	[sflag:s7] =	ssyncadd.s32 $0xFFFF4000  }
0x1c: {  	v3 =	vld [tilespmem:$0x0];
	_ =	sdelay $0x4  }
0x1d: {  	v4 =	vshrl.u32 v3, $0x3  }
0x1e: {  	v4 =	vmul.u32 $0x30, v4  }
0x1f: {  	v3 =	vand.u32 $0x7, v3  }
0x20: {  	v3 =	vor.u32 v3, v4  }
0x21: {  	v4 =	vperm.xlane v3, v0;
	_ =	sdelay $0x1  }
0x22: {  	v4 =	vadd.s32 v1, v4;
	_ =	sdelay $0x3  }
0x23: {  	v3 =	vperm.xlane v3, v2  }
0x24: {  	[hbm4b:s3+s2] =	stream.indirect_vreg.scatter [tilespmem:s8], [sflag:$0x1], $0x80, v4, vm0, $0xb8;
	[tilespmem:$0xC080] =	vst v63  }
0x25: {  	s0 =	rddreg [dreg:$0x5];
	v3 =	vadd.s32 v1, v3  }
0x26: {  	[hbm4b:s4+s2] =	stream.indirect_vreg.scatter [tilespmem:s0], [sflag:$0x1], $0x80, v4, vm0, $0xb8;
	[tilespmem:$0xC080] =	vst v63  }
0x27: {  	_ = 	snop  }
0x28: {  	[hbm4b:s5+s2] =	stream.indirect_vreg.scatter [tilespmem:s9], [sflag:$0x1], $0x80, v4, vm0, $0xb8;
	[tilespmem:$0xC080] =	vst v63  }
0x29: {  	_ = 	snop  }
0x2a: {  	[hbm4b:s3+s2] =	stream.indirect_vreg.scatter [tilespmem:s10], [sflag:$0x1], $0x80, v3, vm0, $0xb8;
	[tilespmem:$0xC080] =	vst v63  }
0x2b: {  	_ = 	snop  }
0x2c: {  	[hbm4b:s4+s2] =	stream.indirect_vreg.scatter [tilespmem:s11], [sflag:$0x1], $0x80, v3, vm0, $0xb8;
	[tilespmem:$0xC080] =	vst v63  }
0x2d: {  	_ = 	snop  }
0x2e: {  	[hbm4b:s5+s2] =	stream.indirect_vreg.scatter [tilespmem:s12], [sflag:$0x1], $0x80, v3, vm0, $0xb8;
	[tilespmem:$0xC080] =	vst v63  }
0x2f: {  	v3 =	vld [tilespmem:$0x10];
	_ =	sdelay $0x4  }
0x30: {  	v61 =	vshrl.u32 v3, $0x3  }
0x31: {  	v4 =	vmul.u32 $0x30, v61  }
0x32: {  	v3 =	vand.u32 $0x7, v3  }
0x33: {  	v3 =	vor.u32 v3, v4  }
0x34: {  	v4 =	vperm.xlane v3, v0;
	_ =	sdelay $0x1  }
0x35: {  	v4 =	vadd.s32 v1, v4;
	_ =	sdelay $0x3  }
0x36: {  	v3 =	vperm.xlane v3, v2  }
0x37: {  	[hbm4b:s3+s2] =	stream.indirect_vreg.scatter [tilespmem:s13], [sflag:$0x1], $0x80, v4, vm0, $0xb8;
	[tilespmem:$0xC080] =	vst v63  }
0x38: {  	v3 =	vadd.s32 v1, v3  }
0x39: {  	[hbm4b:s4+s2] =	stream.indirect_vreg.scatter [tilespmem:s14], [sflag:$0x1], $0x80, v4, vm0, $0xb8;
	[tilespmem:$0xC080] =	vst v63  }
0x3a: {  	_ = 	snop  }
0x3b: {  	[hbm4b:s5+s2] =	stream.indirect_vreg.scatter [tilespmem:s15], [sflag:$0x1], $0x80, v4, vm0, $0xb8;
	[tilespmem:$0xC080] =	vst v63  }
0x3c: {  	_ = 	snop  }
0x3d: {  	[hbm4b:s3+s2] =	stream.indirect_vreg.scatter [tilespmem:s16], [sflag:$0x1], $0x80, v3, vm0, $0xb8;
	[tilespmem:$0xC080] =	vst v63  }
0x3e: {  	_ = 	snop  }
0x3f: {  	[hbm4b:s4+s2] =	stream.indirect_vreg.scatter [tilespmem:s17], [sflag:$0x1], $0x80, v3, vm0, $0xb8;
	[tilespmem:$0xC080] =	vst v63  }
0x40: {  	_ = 	snop  }
0x41: {  	[hbm4b:s5+s2] =	stream.indirect_vreg.scatter [tilespmem:s18], [sflag:$0x1], $0x80, v3, vm0, $0xb8;
	[tilespmem:$0xC080] =	vst v63  }
0x42: {  	v3 =	vld [tilespmem:$0x20];
	_ =	sdelay $0x4  }
0x43: {  	v62 =	vshrl.u32 v3, $0x3  }
0x44: {  	v4 =	vmul.u32 $0x30, v62  }
0x45: {  	v3 =	vand.u32 $0x7, v3  }
0x46: {  	v3 =	vor.u32 v3, v4  }
0x47: {  	v4 =	vperm.xlane v3, v0;
	_ =	sdelay $0x1  }
0x48: {  	v4 =	vadd.s32 v1, v4;
	_ =	sdelay $0x3  }
0x49: {  	v3 =	vperm.xlane v3, v2  }
0x4a: {  	[hbm4b:s3+s2] =	stream.indirect_vreg.scatter [tilespmem:s19], [sflag:$0x1], $0x80, v4, vm0, $0xb8;
	[tilespmem:$0xC080] =	vst v63  }
0x4b: {  	v3 =	vadd.s32 v1, v3  }
0x4c: {  	[hbm4b:s4+s2] =	stream.indirect_vreg.scatter [tilespmem:s20], [sflag:$0x1], $0x80, v4, vm0, $0xb8;
	[tilespmem:$0xC080] =	vst v63  }
0x4d: {  	_ = 	snop  }
0x4e: {  	[hbm4b:s5+s2] =	stream.indirect_vreg.scatter [tilespmem:s21], [sflag:$0x1], $0x80, v4, vm0, $0xb8;
	[tilespmem:$0xC080] =	vst v63  }
0x4f: {  	_ = 	snop  }
0x50: {  	[hbm4b:s3+s2] =	stream.indirect_vreg.scatter [tilespmem:s22], [sflag:$0x1], $0x80, v3, vm0, $0xb8;
	[tilespmem:$0xC080] =	vst v63  }
0x51: {  	_ = 	snop  }
0x52: {  	[hbm4b:s4+s2] =	stream.indirect_vreg.scatter [tilespmem:s23], [sflag:$0x1], $0x80, v3, vm0, $0xb8;
	[tilespmem:$0xC080] =	vst v63  }
0x53: {  	_ = 	snop  }
0x54: {  	[hbm4b:s5+s2] =	stream.indirect_vreg.scatter [tilespmem:s24], [sflag:$0x1], $0x80, v3, vm0, $0xb8;
	[tilespmem:$0xC080] =	vst v63  }
0x55: {  	v3 =	vld [tilespmem:$0x30];
	_ =	sdelay $0x4  }
0x56: {  	v63 =	vshrl.u32 v3, $0x3  }
0x57: {  	v4 =	vmul.u32 $0x30, v63  }
0x58: {  	v3 =	vand.u32 $0x7, v3  }
0x59: {  	v3 =	vor.u32 v3, v4  }
0x5a: {  	v4 =	vperm.xlane v3, v0;
	_ =	sdelay $0x1  }
0x5b: {  	v4 =	vadd.s32 v1, v4;
	_ =	sdelay $0x3  }
0x5c: {  	v3 =	vperm.xlane v3, v2  }
0x5d: {  	[hbm4b:s3+s2] =	stream.indirect_vreg.scatter [tilespmem:s25], [sflag:$0x1], $0x80, v4, vm0, $0xb8;
	[tilespmem:$0xC080] =	vst v63  }
0x5e: {  	v3 =	vadd.s32 v1, v3  }
0x5f: {  	[hbm4b:s4+s2] =	stream.indirect_vreg.scatter [tilespmem:s26], [sflag:$0x1], $0x80, v4, vm0, $0xb8;
	[tilespmem:$0xC080] =	vst v63  }
0x60: {  	_ = 	snop  }
0x61: {  	[hbm4b:s5+s2] =	stream.indirect_vreg.scatter [tilespmem:s28], [sflag:$0x1], $0x80, v4, vm0, $0xb8;
	[tilespmem:$0xC080] =	vst v63  }
0x62: {  	_ = 	snop  }
0x63: {  	[hbm4b:s3+s2] =	stream.indirect_vreg.scatter [tilespmem:s29], [sflag:$0x1], $0x80, v3, vm0, $0xb8;
	[tilespmem:$0xC080] =	vst v63  }
0x64: {  	p0 =	sne.s32 s6, $0x1  }
0x65: {  	[hbm4b:s4+s2] =	stream.indirect_vreg.scatter [tilespmem:s30], [sflag:$0x1], $0x80, v3, vm0, $0xb8;
	[tilespmem:$0xC080] =	vst v63  }
.Ltmp0:
0x66: {  	_ = 	snop;
	(pc) =	sbr.rel @p0 .LBB2_1-.Ltmp0, $4  }
0x67: {  	[hbm4b:s5+s2] =	stream.indirect_vreg.scatter [tilespmem:s31], [sflag:$0x1], $0x80, v3, vm0, $0xb8;
	[tilespmem:$0xC080] =	vst v63  }
0x68: {  	_ =	swait.ge [sflag:s1], $0xC000  }
0x69: {  	[sflag:s1] =	ssyncset.done $0x0  }
0x6a: {  	s6 =	sadd.s32 $0xFFFFFFFF, s6;
	[sflag:s1] =	ssyncadd.s32 $0xFFFF4000  }
0x6b: {  	_ =	sfence.sel $0x180000  }
0x6c: {  	[bflag:$0x0] =	sbarrier.arrive $0xFFFF  }
0x6d: {  	_ =	strace $0x90000047  }
0x6e: {  	s0 =	stileid.u32;
	[bflag:$0x2] =	sbarrier.arrive $0xFFFF  }
0x6f: {  	p0 =	sne.s32 s0, $0x0;
	s0 =	rddreg [dreg:$0x2]  }
0x70: {  	s0 =	sadd.s32 @!p0 $0x100000, s0  }
0x71: {  	[sflag:s0] =	ssyncadd.tile.s32 @!p0 $0x1;
	_ =	shalt  }
.Lfunc_end2:
_tile_overlayer_lowered:
.L_overlay_start_2:
0x72: {  	(tag) =	ssettag $0x2  }
0x73: {  	s0 =	rddreg [dreg:$0x0];
	s2 =	stileid.u32  }
0x74: {  	s1 =	rddreg [dreg:$0x1];
	p0 =	sne.s32 s2, $0x0  }
0x75: {  	s3 =	rddreg [dreg:$0x2];
	[bflag:$0x3] =	sbarrier.arrive $0xFFFF;
	s2 =	simm.s32 @!p0 $0x1C02  }
0x76: {  	[timem:s3], [sflag:s2] =	dma.local @!p0 [hbm:s0], s1  }
0x77: {  	s0 =	simm.s32 @!p0 $0x2  }
0x78: {  	_ =	swait.ge @!p0 [sflag:s0], s1  }
0x79: {  	s1 =	ssub.s32 @!p0 $0x0, s1;
	[sflag:s0] =	ssyncset.done @!p0 $0x0  }
0x7a: {  	[sflag:s0] =	ssyncadd.s32 @!p0 s1  }
0x7b: {  	[bflag:$0x3] =	sbarrier.arrive $0xFFFF  }
0x7c: {  	_ =	shalt  }

// kernel: kernel.9.cloned.1.call-start
scs
__scs_entry_jumppad:
0x0: {  	(pc) =	sbr.rel $0x88, $3  }
0x1: {  	(tag) =	ssettag $0x0;
	lr =	simm.s32 $0x1  }
0x2: {  	[smem:$0x3F9A] =	sst lr;
	_ =	strace $0xD0000000  }
0x3: {  	_ = 	snop  }
0x4: {  	_ = 	snop  }
0x5: {  	_ = 	snop  }
0x6: {  	_ = 	snop  }
0x7: {  	_ = 	snop  }
__scs_overlays_trampoline_lowered:
0x8: {  	[smem:$0x3FA9] =	sst s0  }
0x9: {  	[smem:$0x3FAA] =	sst s1  }
0xa: {  	[smem:$0x3FAB] =	sst s2  }
0xb: {  	[smem:$0x3FAC] =	sst s3  }
0xc: {  	[smem:$0x3FAD] =	sst s4  }
0xd: {  	[smem:$0x3FAE] =	sst s5  }
0xe: {  	[smem:$0x3FAF] =	sst s6  }
0xf: {  	[smem:$0x3FB0] =	sst s7  }
0x10: {  	[smem:$0x3FB1] =	sst s8  }
0x11: {  	[smem:$0x3FB2] =	sst s9;
	s0 =	simm.s32 @!p0 $0x0  }
0x12: {  	s1 =	sld [smem:$0x3F98];
	s0 =	simm.s32 @p0 $0x1  }
0x13: {  	[smem:$0x3FB3] =	sst s0;
	s0 =	simm.s32 @!p1 $0x0  }
0x14: {  	s2 =	sld [smem:$0x3F97];
	s0 =	simm.s32 @p1 $0x1  }
0x15: {  	[smem:$0x3FB4] =	sst s0;
	s0 =	simm.s32 @!p2 $0x0  }
0x16: {  	s3 =	sld [smem:$0x3FDB];
	s0 =	simm.s32 @p2 $0x1  }
0x17: {  	s4 =	simm.s32 $0x1BF5;
	[smem:$0x3FB6] =	sst s0  }
0x18: {  	s0 =	sld [smem:$0x3F99];
	_ =	swait.ge [sflag:s4], $0x0  }
0x19: {  	s7 =	sld [smem:$0x3F9A]  }
0x1a: {  	s8 =	sadd.s32 $0xFFFFE003, lr  }
0x1b: {  	s9 =	sadd.s32 $0xFFFFFEF7, lr;
	s5 =	simm.s32 $0xFFFFFFFF;
	p2 =	slt.u32 s8, $0xFFFFF086  }
0x1c: {  	p1 =	slt.u32 s9, $0xF7A;
	s5 =	simm.s32 @!p2 $0x0  }
0x1d: {  	s5 =	simm.s32 @p1 $0x1;
	p0 =	seq.s32 s7, s2  }
0x1e: {  	s7 =	smul.u32 @!p0 $0xF7A, s2;
	p2 =	seq.s32 @!p0 s5, $0x0  }
0x1f: {  	s9 =	smul.u32 $0xF7A, s1;
	s8 =	simm.s32 @!p0 $0x1BF5;
	p2 =	por !p2, p0  }
0x20: {  	[sflag:s8] =	ssyncset.s32 @!p0 $0xFFFFF086;
	s6 =	sadd.s32 @!p0 s3, s7;
	s7 =	simm.s32 @!p0 $0x108  }
0x21: {  	s3 =	sadd.s32 s3, s9;
	s6 =	sadd.s32 @!p0 $0x88, s6;
	s7 =	simm.s32 @p2 $0x1082  }
0x22: {  	[simem:s7], [sflag:s8] =	dma.local @!p0 [hbm:s6], $0xF7A  }
0x23: {  	s9 =	sor.u32 $0xD0000000, s2;
	s6 =	simm.s32 $0x108;
	_ =	swait.ge @!p0 [sflag:s8], $0x0  }
0x24: {  	s3 =	sadd.s32 $0x88, s3;
	s6 =	simm.s32 @!p1 $0x1082;
	[sflag:s4] =	ssyncset.s32 $0xFFFFF086  }
0x25: {  	[simem:s6], [sflag:s4] =	dma.local [hbm:s3], $0xF7A  }
0x26: {  	[smem:$0x3F9A] =	sst s1;
	(tag) =	ssettag s2;
	_ =	strace s9  }
0x27: {  	s1 =	sld [smem:$0x3FAA]  }
0x28: {  	s2 =	sld [smem:$0x3FAB]  }
0x29: {  	s4 =	sld [smem:$0x3FAD]  }
0x2a: {  	p0 =	seq.s32 s5, $0x0;
	s5 =	sld [smem:$0x3FAE]  }
0x2b: {  	s6 =	sld [smem:$0x3FAF]  }
0x2c: {  	s7 =	sld [smem:$0x3FB0]  }
0x2d: {  	s3 =	simm.s32 $0x108;
	s8 =	sld [smem:$0x3FB1]  }
0x2e: {  	s3 =	simm.s32 @!p0 $0x1082;
	s9 =	sld [smem:$0x3FB2]  }
0x2f: {  	lr =	sadd.s32 s0, s3;
	s0 =	sld [smem:$0x3FA9]  }
0x30: {  	s3 =	sld [smem:$0x3FAC]  }
0x31: {  	[smem:$0x3FB5] =	sst s10  }
0x32: {  	s10 =	sld [smem:$0x3FB3];
	_ =	sdelay $0x3  }
0x33: {  	p0 =	seq.s32 s10, $0x1;
	s10 =	sld [smem:$0x3FB5];
	_ =	sdelay $0x3  }
0x34: {  	[smem:$0x3FB5] =	sst s10  }
0x35: {  	s10 =	sld [smem:$0x3FB4];
	_ =	sdelay $0x3  }
0x36: {  	p1 =	seq.s32 s10, $0x1;
	s10 =	sld [smem:$0x3FB5];
	_ =	sdelay $0x3  }
0x37: {  	[smem:$0x3FB5] =	sst s10  }
0x38: {  	s10 =	sld [smem:$0x3FB6]  }
0x39: {  	_ = 	snop;
	(pc) =	sbr.ind lr, $3  }
0x3a: {  	_ = 	snop  }
0x3b: {  	_ = 	snop  }
0x3c: {  	p2 =	seq.s32 s10, $0x1;
	s10 =	sld [smem:$0x3FB5]  }
0x3d: {  	_ =	shalt  }
0x3e: {  	_ =	shalt  }
0x3f: {  	_ =	shalt  }
0x40: {  	_ =	shalt  }
0x41: {  	_ =	shalt  }
0x42: {  	_ =	shalt  }
0x43: {  	_ =	shalt  }
0x44: {  	_ =	shalt  }
0x45: {  	_ =	shalt  }
0x46: {  	_ =	shalt  }
0x47: {  	_ =	shalt  }
0x48: {  	_ =	shalt  }
0x49: {  	_ =	shalt  }
0x4a: {  	_ =	shalt  }
0x4b: {  	_ =	shalt  }
0x4c: {  	_ =	shalt  }
0x4d: {  	_ =	shalt  }
0x4e: {  	_ =	shalt  }
0x4f: {  	_ =	shalt  }
0x50: {  	_ =	shalt  }
0x51: {  	_ =	shalt  }
0x52: {  	_ =	shalt  }
0x53: {  	_ =	shalt  }
0x54: {  	_ =	shalt  }
0x55: {  	_ =	shalt  }
0x56: {  	_ =	shalt  }
0x57: {  	_ =	shalt  }
0x58: {  	_ =	shalt  }
0x59: {  	_ =	shalt  }
0x5a: {  	_ =	shalt  }
0x5b: {  	_ =	shalt  }
0x5c: {  	_ =	shalt  }
0x5d: {  	_ =	shalt  }
0x5e: {  	_ =	shalt  }
0x5f: {  	_ =	shalt  }
0x60: {  	_ =	shalt  }
0x61: {  	_ =	shalt  }
0x62: {  	_ =	shalt  }
0x63: {  	_ =	shalt  }
0x64: {  	_ =	shalt  }
0x65: {  	_ =	shalt  }
0x66: {  	_ =	shalt  }
0x67: {  	_ =	shalt  }
0x68: {  	_ =	shalt  }
0x69: {  	_ =	shalt  }
0x6a: {  	_ =	shalt  }
0x6b: {  	_ =	shalt  }
0x6c: {  	_ =	shalt  }
0x6d: {  	_ =	shalt  }
0x6e: {  	_ =	shalt  }
0x6f: {  	_ =	shalt  }
0x70: {  	_ =	shalt  }
0x71: {  	_ =	shalt  }
0x72: {  	_ =	shalt  }
0x73: {  	_ =	shalt  }
0x74: {  	_ =	shalt  }
0x75: {  	_ =	shalt  }
0x76: {  	_ =	shalt  }
0x77: {  	_ =	shalt  }
0x78: {  	_ =	shalt  }
0x79: {  	_ =	shalt  }
0x7a: {  	_ =	shalt  }
0x7b: {  	_ =	shalt  }
0x7c: {  	_ =	shalt  }
0x7d: {  	_ =	shalt  }
0x7e: {  	_ =	shalt  }
0x7f: {  	_ =	shalt  }
0x80: {  	_ =	shalt  }
0x81: {  	_ =	shalt  }
0x82: {  	_ =	shalt  }
0x83: {  	_ =	shalt  }
0x84: {  	_ =	shalt  }
0x85: {  	_ =	shalt  }
0x86: {  	_ =	shalt  }
0x87: {  	_ =	shalt  }
.Lfunc_end0:
.L_simem_size_0:
called_computation.1_lowered:
.L_overlay_start_0:
0x88: {  	s2 =	sld [smem:$0x3FD9]  }
0x89: {  	s3 =	sld [smem:$0x3FFE];
	_ =	sdelay $0x1  }
0x8a: {  	s1 =	srdreg.scid  }
0x8b: {  	s0 =	sand.u32 $0x1, s1  }
0x8c: {  	s14 =	sshll.u32 s0, $0xA;
	s2 =	sadd.s32 s3, s2  }
0x8d: {  	s2 =	sadd.s32 s2, s14  }
0x8e: {  	[smem:$0x3FC1] =	sst s2  }
0x8f: {  	_ = 	snop  }
0x90: {  	s2 =	sld [smem:$0x3FD0];
	_ =	sdelay $0x2  }
0x91: {  	s15 =	simm.s32 $0xA;
	s4 =	simm.s32 $0x10  }
0x92: {  	[smem:s4], [sflag:s15] =	dma.local [hbm:s2], $0x1  }
0x93: {  	_ =	swait.eq [sflag:s15], $0x1  }
0x94: {  	[sflag:s15] =	ssyncset.done $0x0  }
0x95: {  	[sflag:s15] =	ssyncadd.s32 $0xFFFFFFFF  }
0x96: {  	s16 =	sld [smem:$0x10];
	(tm) =	ssettm $0x1  }
0x97: {  	s17 =	sld [smem:$0x3FFB];
	_ =	sdelay $0x3  }
0x98: {  	_ =	strace s17  }
0x99: {  	s3 =	sld [smem:$0x3FFC];
	_ =	sdelay $0x3  }
0x9a: {  	_ =	strace s3  }
0x9b: {  	s3 =	sld [smem:$0x3FFD];
	_ =	sdelay $0x3  }
0x9c: {  	_ =	strace s3  }
0x9d: {  	_ =	strace $0x8FFFFFFF  }
0x9e: {  	s18 =	sld [smem:$0x3FDB];
	_ =	sdelay $0x1  }
0x9f: {  	s19 =	simm.s32 $_scs_section_size  }
0xa0: {  	s5 =	simm.s32 $_size__tile_overlayer_lowered;
	s6 =	simm.s32 $_tile_overlayer_lowered  }
0xa1: {  	s22 =	simm.s32 $0x1BFF;
	s21 =	sshll.u32 s6, $0x1;
	s3 =	sadd.s32 s19, s18  }
0xa2: {  	s7 =	simm.s32 $0x0;
	s20 =	sshll.u32 s5, $0x1;
	s5 =	sadd.s32 s21, s3  }
0xa3: {  	[timem:s7], [sflag:s22] =	dma.local [hbm:s5], s20  }
0xa4: {  	_ =	swait.ge [sflag:s22], s20  }
0xa5: {  	s4 =	ssub.s32 $0x0, s20;
	[sflag:s22] =	ssyncset.done $0x0  }
0xa6: {  	[sflag:s22] =	ssyncadd.s32 s4;
	_ =	sdelay $0x1  }
0xa7: {  	s23 =	simm.s32 $0x1B8B  }
0xa8: {  	_ =	swait.ge [sflag:s23], $0x1  }
0xa9: {  	[sflag:s23] =	ssyncset.done $0x0  }
0xaa: {  	s25 =	simm.s32 $0x1B8E;
	s24 =	sld [smem:$0x3FFE];
	[sflag:s23] =	ssyncadd.s32 $0xFFFFFFFF  }
0xab: {  	s26 =	simm.s32 $execute0_lowered;
	[smem:$0x3FD2] =	sst s25  }
0xac: {  	s5 =	sshll.u32 s26, $0x1;
	_ =	strace $0x80000049;
	[dreg:$0x1] =	wrdreg $0xFFFFFFFF  }
0xad: {  	s28 =	simm.s32 $_size_execute0_lowered;
	s3 =	sadd.s32 s3, s5;
	[dreg:$0x0] =	wrdreg $0x0  }
0xae: {  	s5 =	sshll.u32 s28, $0x1;
	[dreg:$0x2] =	wrdreg s3  }
0xaf: {  	[dreg:$0x3] =	wrdreg s5  }
0xb0: {  	[dreg:$0x4] =	wrdreg $0xC0  }
0xb1: {  	_ =	task [dreg:s7], $0x5FFFF  }
0xb2: {  	[dreg:$0x1] =	wrdreg $0xFFFFFFFF  }
0xb3: {  	[dreg:$0x0] =	wrdreg $0x60  }
0xb4: {  	[dreg:$0x2] =	wrdreg s24  }
0xb5: {  	[dreg:$0x3] =	wrdreg s16  }
0xb6: {  	[dreg:$0x4] =	wrdreg $0x9  }
0xb7: {  	_ =	task.clear_ibuf [dreg:s7], $0x5FFFF;
	_ =	strace $0x90000049  }
0xb8: {  	s29 =	simm.s32 $0x9;
	_ =	strace $0x8000004B  }
0xb9: {  	_ =	swait.ge [sflag:s29], $0x1  }
0xba: {  	[sflag:s29] =	ssyncadd.s32 $0xFFFFFFFF  }
0xbb: {  	_ =	strace $0x9000004B  }
0xbc: {  	_ =	sfence  }
0xbd: {  	s30 =	sld [smem:$0x0];
	_ =	sdelay $0x2  }
0xbe: {  	s31 =	sshll.u32 s1, $0xD;
	s1 =	sshrl.u32 s1, $0x2  }
0xbf: {  	s3 =	sand.u32 $0x4000, s31;
	s1 =	sadd.s32 s1, s30  }
0xc0: {  	s0 =	sor.u32 s3, s0;
	s1 =	sshll.u32 s1, $0x11  }
0xc1: {  	s0 =	sor.u32 s1, s0  }
0xc2: {  	s0 =	sadd.s32 $0x8F2B, s0  }
0xc3: {  	[sflag:s0] =	ssyncadd.remote.s32 $0x1  }
0xc4: {  	_ =	sfence.sel $0xFFFF  }
0xc5: {  	[dreg:$0x0] =	wrdreg $0xFFFFFFFF;
	(pc) =	sbr.abs _section_cstart, $3  }
0xc6: {  	[dreg:$0x1] =	wrdreg $0xFFFFFFFF  }
0xc7: {  	_ =	task.clear_ibuf [dreg:s7], $0x2FFFF;
	_ =	strace $0x9FFFFFFF  }
0xc8: {  	(tm) =	ssettm $0x7FFFFFFF  }
0xc9: {  	_ =	shalt  }
tec
execute0_lowered:
.L_overlay_start_1:
0x0: {  	(tag) =	ssettag $0x1  }
0x1: {  	s0 =	rddreg [dreg:$0x0]  }
0x2: {  	s5 =	rddreg [dreg:$0x1];
	s3 =	srdreg.scid  }
0x3: {  	s2 =	simm.s32 $0x0;
	s1 =	stileid.u32;
	s26 =	simm.s32 $0x880  }
0x4: {  	s10 =	simm.s32 $0x1880;
	s11 =	simm.s32 $0x2080;
	s12 =	simm.s32 $0x2880  }
0x5: {  	s13 =	simm.s32 $0x3080;
	s14 =	simm.s32 $0x3880;
	s15 =	simm.s32 $0x4080  }
0x6: {  	s16 =	simm.s32 $0x4880;
	s17 =	simm.s32 $0x5080;
	s18 =	simm.s32 $0x5880  }
0x7: {  	s19 =	simm.s32 $0x6080;
	s20 =	simm.s32 $0x6880;
	s21 =	simm.s32 $0x7080  }
0x8: {  	s22 =	simm.s32 $0x7880;
	s28 =	simm.s32 $0xA080;
	s29 =	simm.s32 $0xA880  }
0x9: {  	s30 =	simm.s32 $0xB080;
	s31 =	simm.s32 $0xB880;
	s3 =	sand.u32 $0x1, s3  }
0xa: {  	[smem:$0x7FF] =	sst s2;
	s4 =	sshll.u32 s1, $0x4;
	s6 =	sshll.u32 s3, $0x3  }
0xb: {  	_ =	strace $0x8000004A;
	s23 =	ssub.s32 $0x2, s3;
	s3 =	sadd.s32 $0xE00, s0  }
0xc: {  	[dreg:$0x5] =	wrdreg s26;
	s26 =	simm.s32 $0x9880;
	s4 =	sor.u32 s6, s4  }
0xd: {  	s8 =	sshrl.u32 s23, $0x1;
	s7 =	sadd.s32 s4, s0;
	s9 =	smul.u32 $0x300, s4  }
0xe: {  	s6 =	ssub.s32 s23, s8;
	s4 =	sadd.s32 $0xF00, s0;
	s8 =	simm.s32 $0x80  }
0xf: {  	s23 =	simm.s32 $0x8080;
	s24 =	sadd.s32 $0xC00, s7;
	s6 =	smax.u32 s6, $0x1  }
0x10: {  	v2 =	vlaneseq.u32;
	s7 =	simm.s32 $0x2;
	[dreg:$0x3] =	wrdreg s24;
	s25 =	sadd.s32 s5, s9  }
0x11: {  	vm0 =	vmmov $0xffff;
	v1 =	vshrl.u32 v2, $0x3;
	s5 =	sadd.s32 $0x1000, s0;
	s9 =	simm.s32 $0x1080;
	s24 =	simm.s32 $0x8880  }
0x12: {  	v0 =	vand.u32 $0x7, v2;
	v2 =	vor.u32 $0x8, v2;
	v1 =	vmul.u32 $0x8, v1;
	s0 =	simm.s32 $0x1;
	[dreg:$0x4] =	wrdreg s25;
	s25 =	simm.s32 $0x9080  }
.LBB2_1:
0x13: {  	s1 =	rddreg [dreg:$0x3]  }
0x14: {  	[tilespmem:s2], [sflag:$0x2] =	stream.linear.gather [hbm4b:s1+s2], $0x40, $0x38;
	[tilespmem:$0xC080] =	vst v63  }
0x15: {  	_ =	swait.ge [sflag:s7], $0x40  }
0x16: {  	[sflag:s7] =	ssyncset.done $0x0  }
0x17: {  	[sflag:s7] =	ssyncadd.s32 $0xFFFFFFC0  }
0x18: {  	v3 =	vld [tilespmem:$0x0];
	_ =	sdelay $0x4  }
0x19: {  	v4 =	vshrl.u32 v3, $0x3  }
0x1a: {  	v4 =	vmul.u32 $0x30, v4  }
0x1b: {  	v3 =	vand.u32 $0x7, v3  }
0x1c: {  	v3 =	vor.u32 v3, v4  }
0x1d: {  	v4 =	vperm.xlane v3, v0;
	_ =	sdelay $0x1  }
0x1e: {  	v4 =	vadd.s32 v1, v4;
	_ =	sdelay $0x3  }
0x1f: {  	v3 =	vperm.xlane v3, v2  }
0x20: {  	[tilespmem:s8], [sflag:$0x1] =	stream.indirect_vreg.gather [hbm4b:s3+s2], $0x80, v4, vm0, $0xb8;
	[tilespmem:$0xC080] =	vst v63  }
0x21: {  	s1 =	rddreg [dreg:$0x5];
	v3 =	vadd.s32 v1, v3  }
0x22: {  	[tilespmem:s1], [sflag:$0x1] =	stream.indirect_vreg.gather [hbm4b:s4+s2], $0x80, v4, vm0, $0xb8;
	[tilespmem:$0xC080] =	vst v63  }
0x23: {  	_ = 	snop  }
0x24: {  	[tilespmem:s9], [sflag:$0x1] =	stream.indirect_vreg.gather [hbm4b:s5+s2], $0x80, v4, vm0, $0xb8;
	[tilespmem:$0xC080] =	vst v63  }
0x25: {  	_ = 	snop  }
0x26: {  	[tilespmem:s10], [sflag:$0x1] =	stream.indirect_vreg.gather [hbm4b:s3+s2], $0x80, v3, vm0, $0xb8;
	[tilespmem:$0xC080] =	vst v63  }
0x27: {  	_ = 	snop  }
0x28: {  	[tilespmem:s11], [sflag:$0x1] =	stream.indirect_vreg.gather [hbm4b:s4+s2], $0x80, v3, vm0, $0xb8;
	[tilespmem:$0xC080] =	vst v63  }
0x29: {  	_ = 	snop  }
0x2a: {  	[tilespmem:s12], [sflag:$0x1] =	stream.indirect_vreg.gather [hbm4b:s5+s2], $0x80, v3, vm0, $0xb8;
	[tilespmem:$0xC080] =	vst v63  }
0x2b: {  	v3 =	vld [tilespmem:$0x10];
	_ =	sdelay $0x4  }
0x2c: {  	v61 =	vshrl.u32 v3, $0x3  }
0x2d: {  	v4 =	vmul.u32 $0x30, v61  }
0x2e: {  	v3 =	vand.u32 $0x7, v3  }
0x2f: {  	v3 =	vor.u32 v3, v4  }
0x30: {  	v4 =	vperm.xlane v3, v0;
	_ =	sdelay $0x1  }
0x31: {  	v4 =	vadd.s32 v1, v4;
	_ =	sdelay $0x3  }
0x32: {  	v3 =	vperm.xlane v3, v2  }
0x33: {  	[tilespmem:s13], [sflag:$0x1] =	stream.indirect_vreg.gather [hbm4b:s3+s2], $0x80, v4, vm0, $0xb8;
	[tilespmem:$0xC080] =	vst v63  }
0x34: {  	v3 =	vadd.s32 v1, v3  }
0x35: {  	[tilespmem:s14], [sflag:$0x1] =	stream.indirect_vreg.gather [hbm4b:s4+s2], $0x80, v4, vm0, $0xb8;
	[tilespmem:$0xC080] =	vst v63  }
0x36: {  	_ = 	snop  }
0x37: {  	[tilespmem:s15], [sflag:$0x1] =	stream.indirect_vreg.gather [hbm4b:s5+s2], $0x80, v4, vm0, $0xb8;
	[tilespmem:$0xC080] =	vst v63  }
0x38: {  	_ = 	snop  }
0x39: {  	[tilespmem:s16], [sflag:$0x1] =	stream.indirect_vreg.gather [hbm4b:s3+s2], $0x80, v3, vm0, $0xb8;
	[tilespmem:$0xC080] =	vst v63  }
0x3a: {  	_ = 	snop  }
0x3b: {  	[tilespmem:s17], [sflag:$0x1] =	stream.indirect_vreg.gather [hbm4b:s4+s2], $0x80, v3, vm0, $0xb8;
	[tilespmem:$0xC080] =	vst v63  }
0x3c: {  	_ = 	snop  }
0x3d: {  	[tilespmem:s18], [sflag:$0x1] =	stream.indirect_vreg.gather [hbm4b:s5+s2], $0x80, v3, vm0, $0xb8;
	[tilespmem:$0xC080] =	vst v63  }
0x3e: {  	v3 =	vld [tilespmem:$0x20];
	_ =	sdelay $0x4  }
0x3f: {  	v62 =	vshrl.u32 v3, $0x3  }
0x40: {  	v4 =	vmul.u32 $0x30, v62  }
0x41: {  	v3 =	vand.u32 $0x7, v3  }
0x42: {  	v3 =	vor.u32 v3, v4  }
0x43: {  	v4 =	vperm.xlane v3, v0;
	_ =	sdelay $0x1  }
0x44: {  	v4 =	vadd.s32 v1, v4;
	_ =	sdelay $0x3  }
0x45: {  	v3 =	vperm.xlane v3, v2  }
0x46: {  	[tilespmem:s19], [sflag:$0x1] =	stream.indirect_vreg.gather [hbm4b:s3+s2], $0x80, v4, vm0, $0xb8;
	[tilespmem:$0xC080] =	vst v63  }
0x47: {  	v3 =	vadd.s32 v1, v3  }
0x48: {  	[tilespmem:s20], [sflag:$0x1] =	stream.indirect_vreg.gather [hbm4b:s4+s2], $0x80, v4, vm0, $0xb8;
	[tilespmem:$0xC080] =	vst v63  }
0x49: {  	_ = 	snop  }
0x4a: {  	[tilespmem:s21], [sflag:$0x1] =	stream.indirect_vreg.gather [hbm4b:s5+s2], $0x80, v4, vm0, $0xb8;
	[tilespmem:$0xC080] =	vst v63  }
0x4b: {  	_ = 	snop  }
0x4c: {  	[tilespmem:s22], [sflag:$0x1] =	stream.indirect_vreg.gather [hbm4b:s3+s2], $0x80, v3, vm0, $0xb8;
	[tilespmem:$0xC080] =	vst v63  }
0x4d: {  	_ = 	snop  }
0x4e: {  	[tilespmem:s23], [sflag:$0x1] =	stream.indirect_vreg.gather [hbm4b:s4+s2], $0x80, v3, vm0, $0xb8;
	[tilespmem:$0xC080] =	vst v63  }
0x4f: {  	_ = 	snop  }
0x50: {  	[tilespmem:s24], [sflag:$0x1] =	stream.indirect_vreg.gather [hbm4b:s5+s2], $0x80, v3, vm0, $0xb8;
	[tilespmem:$0xC080] =	vst v63  }
0x51: {  	v3 =	vld [tilespmem:$0x30];
	_ =	sdelay $0x4  }
0x52: {  	v63 =	vshrl.u32 v3, $0x3  }
0x53: {  	v4 =	vmul.u32 $0x30, v63  }
0x54: {  	v3 =	vand.u32 $0x7, v3  }
0x55: {  	v3 =	vor.u32 v3, v4  }
0x56: {  	v4 =	vperm.xlane v3, v0;
	_ =	sdelay $0x1  }
0x57: {  	v4 =	vadd.s32 v1, v4;
	_ =	sdelay $0x3  }
0x58: {  	v3 =	vperm.xlane v3, v2  }
0x59: {  	[tilespmem:s25], [sflag:$0x1] =	stream.indirect_vreg.gather [hbm4b:s3+s2], $0x80, v4, vm0, $0xb8;
	[tilespmem:$0xC080] =	vst v63  }
0x5a: {  	v3 =	vadd.s32 v1, v3  }
0x5b: {  	[tilespmem:s26], [sflag:$0x1] =	stream.indirect_vreg.gather [hbm4b:s4+s2], $0x80, v4, vm0, $0xb8;
	[tilespmem:$0xC080] =	vst v63  }
0x5c: {  	_ = 	snop  }
0x5d: {  	[tilespmem:s28], [sflag:$0x1] =	stream.indirect_vreg.gather [hbm4b:s5+s2], $0x80, v4, vm0, $0xb8;
	[tilespmem:$0xC080] =	vst v63  }
0x5e: {  	_ = 	snop  }
0x5f: {  	[tilespmem:s29], [sflag:$0x1] =	stream.indirect_vreg.gather [hbm4b:s3+s2], $0x80, v3, vm0, $0xb8;
	[tilespmem:$0xC080] =	vst v63  }
0x60: {  	_ = 	snop  }
0x61: {  	[tilespmem:s30], [sflag:$0x1] =	stream.indirect_vreg.gather [hbm4b:s4+s2], $0x80, v3, vm0, $0xb8;
	[tilespmem:$0xC080] =	vst v63  }
0x62: {  	_ = 	snop  }
0x63: {  	[tilespmem:s31], [sflag:$0x1] =	stream.indirect_vreg.gather [hbm4b:s5+s2], $0x80, v3, vm0, $0xb8;
	[tilespmem:$0xC080] =	vst v63  }
0x64: {  	_ =	swait.ge [sflag:s0], $0xC000  }
0x65: {  	p0 =	sne.s32 s6, $0x1;
	[sflag:s0] =	ssyncset.done $0x0  }
.Ltmp0:
0x66: {  	s1 =	rddreg [dreg:$0x4];
	[sflag:s0] =	ssyncadd.s32 $0xFFFF4000;
	(pc) =	sbr.rel @p0 .LBB2_1-.Ltmp0, $4  }
0x67: {  	[hbm4b:s1+s2] =	stream.linear.scatter [tilespmem:s8], [sflag:$0x2], $0xC000, $0x38;
	[tilespmem:$0xC080] =	vst v63  }
0x68: {  	_ =	swait.ge [sflag:s7], $0xC000  }
0x69: {  	[sflag:s7] =	ssyncset.done $0x0  }
0x6a: {  	s6 =	sadd.s32 $0xFFFFFFFF, s6;
	[sflag:s7] =	ssyncadd.s32 $0xFFFF4000  }
0x6b: {  	_ =	sfence.sel $0x180000  }
0x6c: {  	[bflag:$0x0] =	sbarrier.arrive $0xFFFF  }
0x6d: {  	_ =	strace $0x9000004A  }
0x6e: {  	s0 =	stileid.u32;
	[bflag:$0x2] =	sbarrier.arrive $0xFFFF  }
0x6f: {  	p0 =	sne.s32 s0, $0x0;
	s0 =	rddreg [dreg:$0x2]  }
0x70: {  	s0 =	sadd.s32 @!p0 $0x100000, s0  }
0x71: {  	[sflag:s0] =	ssyncadd.tile.s32 @!p0 $0x1;
	_ =	shalt  }
.Lfunc_end2:
_tile_overlayer_lowered:
.L_overlay_start_2:
0x72: {  	(tag) =	ssettag $0x2  }
0x73: {  	s0 =	rddreg [dreg:$0x0];
	s2 =	stileid.u32  }
0x74: {  	s1 =	rddreg [dreg:$0x1];
	p0 =	sne.s32 s2, $0x0  }
0x75: {  	s3 =	rddreg [dreg:$0x2];
	[bflag:$0x3] =	sbarrier.arrive $0xFFFF;
	s2 =	simm.s32 @!p0 $0x1C02  }
0x76: {  	[timem:s3], [sflag:s2] =	dma.local @!p0 [hbm:s0], s1  }
0x77: {  	s0 =	simm.s32 @!p0 $0x2  }
0x78: {  	_ =	swait.ge @!p0 [sflag:s0], s1  }
0x79: {  	s1 =	ssub.s32 @!p0 $0x0, s1;
	[sflag:s0] =	ssyncset.done @!p0 $0x0  }
0x7a: {  	[sflag:s0] =	ssyncadd.s32 @!p0 s1  }
0x7b: {  	[bflag:$0x3] =	sbarrier.arrive $0xFFFF  }
0x7c: {  	_ =	shalt  }

</sc_bundles>
